<compile_context>
chip_gen: v7x
topology: tpu7x:2x2x1
jax: 0.10.2.dev20260603
libtpu: 0.0.44.dev20260713+nightly
codegen_flags: <defaults>
</compile_context>

<pallas_src>
import functools

import jax
import jax.numpy as jnp
from jax import lax
from jax.experimental import pallas as pl
from jax.experimental.pallas import tpu as pltpu
from jax.experimental.pallas import tpu_sc as plsc

NX, NY = 96, 96
N = NX * NY
ETL = 32
T2N, B1N = 150, 40
CHUNK = 128
CAP = 512
CPB = CAP // CHUNK
NCHUNK = B1N * CPB
NSLOT = NCHUNK * CHUNK
KC = 8
TILE = 512
NTILE = N // TILE
NC, NS = 2, 16
NW = NC * NS
VPW = N // NW
WROW = 128


def _bucket_index(est1):
    b1v = 0.2 + 1.4 * est1
    step = 1.4 / (B1N - 1)
    j0 = jnp.clip(jnp.floor((b1v - 0.2) * (1.0 / step)), 0.0, B1N - 2.0)
    g0 = 0.2 + j0 * step
    g1 = 0.2 + (j0 + 1.0) * step
    d0 = (b1v - g0) ** 2
    d1 = (b1v - g1) ** 2
    return j0 + (d1 < d0).astype(jnp.float32)


def _prep_kernel(est0_ref, est1_ref, sig_ref, dt_ref,
                 ww2_ref, slot_ref, cvalid_ref, vn_ref,
                 carry_ref, ltri_ref, vn_acc):
    i = pl.program_id(0)

    bidx_f = _bucket_index(est1_ref[...])
    biota = lax.broadcasted_iota(jnp.int32, (TILE, B1N), 1).astype(jnp.float32)
    oh = (biota == bidx_f).astype(jnp.float32)

    t2p = 1.0 + 499.0 * est0_ref[...]
    etha = jnp.exp(-dt_ref[...] / t2p)
    sig = sig_ref[...]
    ww2_ref[...] = jnp.concatenate(
        [etha * sig, etha * etha, jnp.zeros((TILE, 2 * ETL), jnp.float32)],
        axis=1)

    @pl.when(i == 0)
    def _():
        carry_ref[...] = jnp.zeros_like(carry_ref)
        vn_acc[0, 0] = 0.0
        rr = lax.broadcasted_iota(jnp.int32, (TILE, TILE), 0)
        cc = lax.broadcasted_iota(jnp.int32, (TILE, TILE), 1)
        ltri_ref[...] = (cc < rr).astype(jnp.float32)

    priors = jnp.dot(ltri_ref[...], oh,
                     preferred_element_type=jnp.float32)
    rank = jnp.sum(oh * (carry_ref[...] + priors), axis=1, keepdims=True)
    slotv = jnp.minimum(bidx_f * float(CAP) + rank, float(NSLOT))
    slot_ref[...] = slotv.astype(jnp.int32)
    carry_ref[...] += jnp.sum(oh, axis=0, keepdims=True)
    vn_acc[0, 0] = vn_acc[0, 0] + jnp.sum(sig * sig)

    @pl.when(i == NTILE - 1)
    def _epilogue():
        cnt = carry_ref[...]
        c_col = lax.broadcasted_iota(jnp.int32, (NCHUNK, 1), 0)
        bidv = c_col // CPB
        b_row = lax.broadcasted_iota(jnp.int32, (NCHUNK, B1N), 1)
        cb = (b_row == bidv).astype(jnp.float32)
        cntsel = jnp.sum(cb * cnt, axis=1, keepdims=True)
        cmod = (c_col - bidv * CPB).astype(jnp.float32)
        valid = jnp.clip(cntsel - cmod * float(CHUNK), 0.0, float(CHUNK))
        cvalid_ref[...] = valid.astype(jnp.int32)
        vn_ref[0, 0] = vn_acc[0, 0]


def _sc_permute(ww2_hbm, slots_hbm, out_hbm, idx_v, rows_v, sem):
    wid = lax.axis_index("s") * NC + lax.axis_index("c")
    off = wid * VPW
    pltpu.sync_copy(slots_hbm.at[pl.ds(off, VPW)], idx_v)
    pltpu.sync_copy(ww2_hbm.at[pl.ds(off, VPW)], rows_v)
    pltpu.async_copy(rows_v, out_hbm.at[idx_v], sem).wait()


def _main_kernel(cvalid_ref, ww2s_ref, dbt_ref, est1f_ref, vn_ref,
                 out_ref, acc_ref):
    s = pl.program_id(0)
    ns = pl.num_programs(0)

    @pl.when(s == 0)
    def _():
        acc_ref[...] = jnp.zeros_like(acc_ref)

    rows_all = ww2s_ref[...]
    riota = lax.broadcasted_iota(jnp.int32, (CHUNK, 2 * ETL), 0)
    eiota = lax.broadcasted_iota(jnp.int32, (CHUNK, 2 * ETL), 1)
    safe = (eiota == ETL).astype(jnp.float32)
    for k in range(KC):
        c = s * KC + k
        valid = cvalid_ref[c]
        bid = c // CPB
        rows = rows_all[k * CHUNK:(k + 1) * CHUNK, :2 * ETL]
        rows = jnp.where(riota < valid, rows, safe)
        w = rows[:, :ETL]
        w2 = rows[:, ETL:2 * ETL]
        d = dbt_ref[pl.ds(bid, 1)][0]
        a = jnp.dot(w, d, preferred_element_type=jnp.float32)
        q = jnp.dot(w2, d * d, preferred_element_type=jnp.float32)
        acc_ref[...] += a * lax.rsqrt(q)

    @pl.when(s == ns - 1)
    def _():
        s150 = jnp.sum(acc_ref[...], axis=0, keepdims=True)
        s_t = (vn_ref[0, 0] + jnp.float32(N)) - 2.0 * s150
        f1 = jnp.sum(jnp.sqrt(jnp.maximum(s_t, 0.0)))

        b1g = 0.2 + 1.4 * est1f_ref[...]
        g0_mid = (b1g[2:, :] - b1g[:-2, :]) * 0.5
        g0_edge = jnp.abs(b1g[1, :] - b1g[0, :]) + jnp.abs(b1g[-1, :] - b1g[-2, :])
        g1_mid = (b1g[:, 2:] - b1g[:, :-2]) * 0.5
        g1_edge = jnp.abs(b1g[:, 1] - b1g[:, 0]) + jnp.abs(b1g[:, -1] - b1g[:, -2])
        f2 = (jnp.sum(jnp.abs(g0_mid)) + jnp.sum(g0_edge)
              + jnp.sum(jnp.abs(g1_mid)) + jnp.sum(g1_edge))
        out_ref[0, 0] = f1 + f2


def kernel(estimates, signal, db_mag, db_t2s_ms, db_b1s, delta_t_t2p_ms):
    est0 = jnp.reshape(estimates[0], (N, 1))
    est1 = jnp.reshape(estimates[1], (N, 1))
    dt = jnp.reshape(delta_t_t2p_ms, (1, ETL))

    ww2, slots, cvalid, vn = pl.pallas_call(
        _prep_kernel,
        grid=(NTILE,),
        in_specs=[
            pl.BlockSpec((TILE, 1), lambda i: (i, 0)),
            pl.BlockSpec((TILE, 1), lambda i: (i, 0)),
            pl.BlockSpec((TILE, ETL), lambda i: (i, 0)),
            pl.BlockSpec((1, ETL), lambda i: (0, 0)),
        ],
        out_specs=[
            pl.BlockSpec((TILE, WROW), lambda i: (i, 0)),
            pl.BlockSpec((TILE, 1), lambda i: (i, 0)),
            pl.BlockSpec((NCHUNK, 1), lambda i: (0, 0)),
            pl.BlockSpec(memory_space=pltpu.SMEM),
        ],
        out_shape=[
            jax.ShapeDtypeStruct((N, WROW), jnp.float32),
            jax.ShapeDtypeStruct((N, 1), jnp.int32),
            jax.ShapeDtypeStruct((NCHUNK, 1), jnp.int32),
            jax.ShapeDtypeStruct((1, 1), jnp.float32),
        ],
        scratch_shapes=[
            pltpu.VMEM((1, B1N), jnp.float32),
            pltpu.VMEM((TILE, TILE), jnp.float32),
            pltpu.SMEM((1, 1), jnp.float32),
        ],
    )(est0, est1, signal, dt)

    sc_scatter = functools.partial(
        pl.kernel,
        out_type=jax.ShapeDtypeStruct((NSLOT + CHUNK, WROW), jnp.float32),
        mesh=plsc.VectorSubcoreMesh(core_axis_name="c", subcore_axis_name="s",
                                    num_cores=NC, num_subcores=NS),
        scratch_types=[
            pltpu.VMEM((VPW,), jnp.int32),
            pltpu.VMEM((VPW, WROW), jnp.float32),
            pltpu.SemaphoreType.DMA,
        ],
    )(_sc_permute)
    sorted_ww2 = sc_scatter(ww2, jnp.reshape(slots, (N,)))

    dbt = jnp.transpose(db_mag, (1, 2, 0))
    out = pl.pallas_call(
        _main_kernel,
        grid=(NCHUNK // KC,),
        in_specs=[
            pl.BlockSpec(memory_space=pltpu.SMEM),
            pl.BlockSpec((KC * CHUNK, WROW), lambda s: (s, 0)),
            pl.BlockSpec((B1N, ETL, T2N), lambda s: (0, 0, 0)),
            pl.BlockSpec((NX, NY), lambda s: (0, 0)),
            pl.BlockSpec(memory_space=pltpu.SMEM),
        ],
        out_specs=pl.BlockSpec(memory_space=pltpu.SMEM),
        out_shape=jax.ShapeDtypeStruct((1, 1), jnp.float32),
        scratch_shapes=[pltpu.VMEM((CHUNK, T2N), jnp.float32)],
    )(jnp.reshape(cvalid, (NCHUNK,)), sorted_ww2, dbt, estimates[1], vn)
    return out[0, 0]

# --- scband reference (transcript-rebuilt; emitter-appended) ---
"""Pipeline reference for scband-dictionary-matching-tv-266287972748 (READ-ONLY COPY).

The authoritative reference and input builder live on the scoring server;
editing this copy changes nothing except your own understanding.
"""

import jax, jax.numpy as jnp
import numpy as np

NX, NY = 96, 96
T2_NUM, B1_NUM, ETL = 150, 40, 32
T2P_RANGE = (1.0, 500.0)
B1_RANGE = (0.2, 1.6)


def setup_inputs(seed: int = 0) -> dict:
    key = jax.random.key(seed)
    k1, k2, k3 = jax.random.split(key, 3)
    # nn.Parameter: Uniform(0,1) samples of shape (2, nx, ny)
    estimates = jax.random.uniform(k1, (2, NX, NY), dtype=jnp.float32)
    # raw slice signal, normalized along echo dim exactly as in __init__
    sig = jax.random.normal(k2, (NX * NY, ETL), dtype=jnp.float32)
    nrm = jnp.linalg.norm(sig, axis=-1, keepdims=True)
    signal = jnp.nan_to_num(sig / nrm, nan=0.0, posinf=0.0)
    # dictionary magnitudes (positive), shape (num_t2s, num_b1s, etl)
    db_mag = jax.random.uniform(k3, (T2_NUM, B1_NUM, ETL), dtype=jnp.float32) + 0.05
    db_t2s_ms = jnp.linspace(1.0, 1000.0, T2_NUM, dtype=jnp.float32)
    db_b1s = jnp.linspace(0.2, 1.6, B1_NUM, dtype=jnp.float32)
    # echo times (delta-t for T2' decay), e.g. 9 ms spacing
    delta_t_t2p_ms = jnp.arange(1, ETL + 1, dtype=jnp.float32) * 9.0
    return {
        "estimates": estimates,
        "signal": signal,
        "db_mag": db_mag,
        "db_t2s_ms": db_t2s_ms,
        "db_b1s": db_b1s,
        "delta_t_t2p_ms": delta_t_t2p_ms,
    }


def reference(estimates, signal, db_mag, db_t2s_ms, db_b1s, delta_t_t2p_ms):
    # b1 map from estimates[1], scaled to b1_range
    b1 = B1_RANGE[0] + (B1_RANGE[1] - B1_RANGE[0]) * estimates[1]
    # TV term: torch.gradient == numpy-style central differences
    g0 = jnp.gradient(b1, axis=0)
    g1 = jnp.gradient(b1, axis=1)
    f_2 = jnp.sum(jnp.abs(g0) + jnp.abs(g1))
    # nearest-neighbor B1 lookup into the dictionary (retrieval step)
    b1_flat = jnp.reshape(b1, (-1,))
    b1_idx = jnp.argmin((b1_flat[:, None] - db_b1s[None, :]) ** 2, axis=-1)
    db = db_mag[:, b1_idx]  # [T2_NUM, N, ETL]
    # T2' decay factor from estimates[0] scaled to t2p_range
    t2p = T2P_RANGE[0] + (T2P_RANGE[1] - T2P_RANGE[0]) * jnp.reshape(estimates[0], (-1,))
    etha = jnp.exp(-delta_t_t2p_ms[None, :] / t2p[:, None])  # [N, ETL]
    s_db = db * etha[None]
    nrm = jnp.linalg.norm(s_db, axis=-1, keepdims=True)
    s_db = jnp.nan_to_num(s_db / nrm, posinf=0.0, nan=0.0)
    l2_min = jnp.linalg.norm(s_db - signal[None], axis=-1)  # [T2_NUM, N]
    # t2 estimate (side output in torch; not part of returned loss)
    t2_idx = jnp.argmin(l2_min, axis=0)
    _t2_estimate = jnp.reshape(db_t2s_ms[t2_idx], (NX, NY))
    f_1 = jnp.sum(jnp.linalg.norm(l2_min, axis=-1))
    return f_1 + f_2

if __name__ == "__main__":
    import jax
    _d = setup_inputs()
    print(jax.jit(kernel)(*tuple(_d.values())))

</pallas_src>

<mosaic_0001>
#map = affine_map<(d0, d1) -> (0, 0)>
#map1 = affine_map<(d0, d1) -> (0)>
module attributes {stable_mosaic.version = 14 : i64} {
  func.func @_sc_permute(%arg0: i32, %arg1: i32, %arg2: memref<9216x128xf32, #tpu.memory_space<hbm>>, %arg3: memref<9216xi32, #tpu.memory_space<hbm>>, %arg4: memref<20608x128xf32, #tpu.memory_space<hbm>>, %arg5: memref<288xi32, #tpu.memory_space<vmem>>, %arg6: memref<288x128xf32, #tpu.memory_space<vmem>>, %arg7: memref<!tpu.dma_semaphore, #tpu.memory_space<semaphore_mem>>) attributes {dimension_semantics = [#tpu.dimension_semantics<core_parallel>, #tpu.dimension_semantics<subcore_parallel>], iteration_bounds = array<i64: 2, 16>, scalar_prefetch = 0 : i64, scratch_operands = 3 : i64, tpu.core_type = #tpu.core_type<sc_vector_subcore>, window_params = [{transform_indices = #map}, {transform_indices = #map1}, {transform_indices = #map}]} {
    %mul3A = arith.constant 2 : i32
    %mul3A_0 = arith.muli %arg1, %mul3A : i32
    %add3A = arith.addi %mul3A_0, %arg0 : i32
    %mul3A_1 = arith.constant 288 : i32
    %mul3A_2 = arith.muli %add3A, %mul3A_1 : i32
    "tpu.region"() ({
      %run_scoped3A = tpu.sem_alloc : memref<!tpu.dma_semaphore, #tpu.memory_space<semaphore_mem>>
      %dma_start3A_7 = tpu.memref_slice %arg3[%mul3A_2] : memref<9216xi32, #tpu.memory_space<hbm>> -> memref<288xi32, #tpu.memory_space<hbm>>
      %dma_start3A_8 = tpu.memref_slice %arg3[%mul3A_2] : memref<9216xi32, #tpu.memory_space<hbm>> -> memref<288xi32, #tpu.memory_space<hbm>>
      tpu.enqueue_dma source(%dma_start3A_8 : memref<288xi32, #tpu.memory_space<hbm>>) target(%arg5 : memref<288xi32, #tpu.memory_space<vmem>>) target_semaphore(%run_scoped3A : memref<!tpu.dma_semaphore, #tpu.memory_space<semaphore_mem>>)
      %dma_wait3A_9 = tpu.memref_slice %arg3[%mul3A_2] : memref<9216xi32, #tpu.memory_space<hbm>> -> memref<288xi32, #tpu.memory_space<hbm>>
      %dma_wait3A_10 = tpu.memref_slice %arg3[%mul3A_2] : memref<9216xi32, #tpu.memory_space<hbm>> -> memref<288xi32, #tpu.memory_space<hbm>>
      tpu.wait_dma2 semaphore(%run_scoped3A : memref<!tpu.dma_semaphore, #tpu.memory_space<semaphore_mem>>) src(%dma_wait3A_10 : memref<288xi32, #tpu.memory_space<hbm>>) dst(%arg5 : memref<288xi32, #tpu.memory_space<vmem>>)
      tpu.yield
    }) : () -> ()
    "tpu.region"() ({
      %run_scoped3A = tpu.sem_alloc : memref<!tpu.dma_semaphore, #tpu.memory_space<semaphore_mem>>
      %dma_start3A_7 = arith.constant 0 : i32
      %dma_start3A_8 = tpu.memref_slice %arg2[%mul3A_2, %dma_start3A_7] : memref<9216x128xf32, #tpu.memory_space<hbm>> -> memref<288x128xf32, #tpu.memory_space<hbm>>
      %dma_start3A_9 = arith.constant 0 : i32
      %dma_start3A_10 = tpu.memref_slice %arg2[%mul3A_2, %dma_start3A_9] : memref<9216x128xf32, #tpu.memory_space<hbm>> -> memref<288x128xf32, #tpu.memory_space<hbm>>
      tpu.enqueue_dma source(%dma_start3A_10 : memref<288x128xf32, #tpu.memory_space<hbm>>) target(%arg6 : memref<288x128xf32, #tpu.memory_space<vmem>>) target_semaphore(%run_scoped3A : memref<!tpu.dma_semaphore, #tpu.memory_space<semaphore_mem>>)
      %dma_wait3A_11 = arith.constant 0 : i32
      %dma_wait3A_12 = tpu.memref_slice %arg2[%mul3A_2, %dma_wait3A_11] : memref<9216x128xf32, #tpu.memory_space<hbm>> -> memref<288x128xf32, #tpu.memory_space<hbm>>
      %dma_wait3A_13 = arith.constant 0 : i32
      %dma_wait3A_14 = tpu.memref_slice %arg2[%mul3A_2, %dma_wait3A_13] : memref<9216x128xf32, #tpu.memory_space<hbm>> -> memref<288x128xf32, #tpu.memory_space<hbm>>
      tpu.wait_dma2 semaphore(%run_scoped3A : memref<!tpu.dma_semaphore, #tpu.memory_space<semaphore_mem>>) src(%dma_wait3A_14 : memref<288x128xf32, #tpu.memory_space<hbm>>) dst(%arg6 : memref<288x128xf32, #tpu.memory_space<vmem>>)
      tpu.yield
    }) : () -> ()
    %dma_start3A = arith.constant 0 : i32
    %dma_start3A_3 = arith.constant 0 : i32
    %dma_start3A_4 = tpu.memref_slice %arg4[%dma_start3A, %dma_start3A_3] : memref<20608x128xf32, #tpu.memory_space<hbm>> -> memref<20608x128xf32, #tpu.memory_space<hbm>>
    tpu.enqueue_indirect_dma source(%arg6 : memref<288x128xf32, #tpu.memory_space<vmem>>) target(%dma_start3A_4 : memref<20608x128xf32, #tpu.memory_space<hbm>>) offsets(%arg5 : memref<288xi32, #tpu.memory_space<vmem>>) semaphore(%arg7 : memref<!tpu.dma_semaphore, #tpu.memory_space<semaphore_mem>>)
    %dma_wait3A = arith.constant 0 : i32
    %dma_wait3A_5 = arith.constant 0 : i32
    %dma_wait3A_6 = tpu.memref_slice %arg4[%dma_wait3A, %dma_wait3A_5] : memref<20608x128xf32, #tpu.memory_space<hbm>> -> memref<20608x128xf32, #tpu.memory_space<hbm>>
    tpu.wait_indirect_dma semaphore(%arg7 : memref<!tpu.dma_semaphore, #tpu.memory_space<semaphore_mem>>) src(%arg6 : memref<288x128xf32, #tpu.memory_space<vmem>>) dst(%dma_wait3A_6 : memref<20608x128xf32, #tpu.memory_space<hbm>>)
    return
  }
}

module attributes {stable_mosaic.version = 14 : i64} {
  func.func @_prep_kernel(%arg0: i32, %arg1: memref<512x1xf32, #tpu.memory_space<vmem>>, %arg2: memref<512x1xf32, #tpu.memory_space<vmem>>, %arg3: memref<512x32xf32, #tpu.memory_space<vmem>>, %arg4: memref<1x32xf32, #tpu.memory_space<vmem>>, %arg5: memref<512x128xf32, #tpu.memory_space<vmem>>, %arg6: memref<512x1xi32, #tpu.memory_space<vmem>>, %arg7: memref<160x1xi32, #tpu.memory_space<vmem>>, %arg8: memref<1x1xf32, #tpu.memory_space<smem>>, %arg9: memref<1x40xf32, #tpu.memory_space<vmem>>, %arg10: memref<512x512xf32, #tpu.memory_space<vmem>>, %arg11: memref<1x1xf32, #tpu.memory_space<smem>>) attributes {dimension_semantics = [#tpu.dimension_semantics<arbitrary>], iteration_bounds = array<i64: 18>, scalar_prefetch = 0 : i64, scratch_operands = 3 : i64, tpu.core_type = #tpu.core_type<tc>, window_params = [{transform_indices = @transform_0, window_bounds = array<i64: 512, 1>}, {transform_indices = @transform_1, window_bounds = array<i64: 512, 1>}, {transform_indices = @transform_2, window_bounds = array<i64: 512, 32>}, {pipeline_mode = #tpu.pipeline_mode<synchronous>, transform_indices = @transform_3, window_bounds = array<i64: 1, 32>}, {transform_indices = @transform_4, window_bounds = array<i64: 512, 128>}, {transform_indices = @transform_5, window_bounds = array<i64: 512, 1>}, {pipeline_mode = #tpu.pipeline_mode<synchronous>, transform_indices = @transform_6, window_bounds = array<i64: 160, 1>}, {transform_indices = @transform_7, window_bounds = array<i64: 1, 1>}]} {
    %get3A = arith.constant 0 : index
    %get3A_0 = arith.constant 0 : index
    %get3A_1 = vector.load %arg2[%get3A, %get3A_0] : memref<512x1xf32, #tpu.memory_space<vmem>>, vector<512x1xf32>
    %mul3A = arith.constant 1.400000e+00 : f32
    %mul3A_2 = vector.broadcast %mul3A : f32 to vector<512x1xf32>
    %mul3A_3 = arith.mulf %mul3A_2, %get3A_1 : vector<512x1xf32>
    %add3A = arith.constant 2.000000e-01 : f32
    %add3A_4 = vector.broadcast %add3A : f32 to vector<512x1xf32>
    %add3A_5 = arith.addf %add3A_4, %mul3A_3 : vector<512x1xf32>
    %sub3A = arith.constant 2.000000e-01 : f32
    %sub3A_6 = vector.broadcast %sub3A : f32 to vector<512x1xf32>
    %sub3A_7 = arith.subf %add3A_5, %sub3A_6 : vector<512x1xf32>
    %mul3A_8 = arith.constant 27.8571434 : f32
    %mul3A_9 = vector.broadcast %mul3A_8 : f32 to vector<512x1xf32>
    %mul3A_10 = arith.mulf %sub3A_7, %mul3A_9 : vector<512x1xf32>
    %floor3A = math.floor %mul3A_10 : vector<512x1xf32>
    %jit3A = arith.constant 0.000000e+00 : f32
    %jit3A_11 = arith.constant 3.800000e+01 : f32
    %max3A = vector.broadcast %jit3A : f32 to vector<512x1xf32>
    %max3A_12 = arith.maximumf %max3A, %floor3A : vector<512x1xf32>
    %min3A = vector.broadcast %jit3A_11 : f32 to vector<512x1xf32>
    %min3A_13 = arith.minimumf %min3A, %max3A_12 : vector<512x1xf32>
    %mul3A_14 = arith.constant 0.0358974375 : f32
    %mul3A_15 = vector.broadcast %mul3A_14 : f32 to vector<512x1xf32>
    %mul3A_16 = arith.mulf %min3A_13, %mul3A_15 : vector<512x1xf32>
    %add3A_17 = arith.constant 2.000000e-01 : f32
    %add3A_18 = vector.broadcast %add3A_17 : f32 to vector<512x1xf32>
    %add3A_19 = arith.addf %add3A_18, %mul3A_16 : vector<512x1xf32>
    %add3A_20 = arith.constant 1.000000e+00 : f32
    %add3A_21 = vector.broadcast %add3A_20 : f32 to vector<512x1xf32>
    %add3A_22 = arith.addf %min3A_13, %add3A_21 : vector<512x1xf32>
    %mul3A_23 = arith.constant 0.0358974375 : f32
    %mul3A_24 = vector.broadcast %mul3A_23 : f32 to vector<512x1xf32>
    %mul3A_25 = arith.mulf %add3A_22, %mul3A_24 : vector<512x1xf32>
    %add3A_26 = arith.constant 2.000000e-01 : f32
    %add3A_27 = vector.broadcast %add3A_26 : f32 to vector<512x1xf32>
    %add3A_28 = arith.addf %add3A_27, %mul3A_25 : vector<512x1xf32>
    %sub3A_29 = arith.subf %add3A_5, %add3A_19 : vector<512x1xf32>
    %integer_pow3A = arith.mulf %sub3A_29, %sub3A_29 : vector<512x1xf32>
    %sub3A_30 = arith.subf %add3A_5, %add3A_28 : vector<512x1xf32>
    %integer_pow3A_31 = arith.mulf %sub3A_30, %sub3A_30 : vector<512x1xf32>
    %lt3A = arith.cmpf olt, %integer_pow3A_31, %integer_pow3A : vector<512x1xf32>
    %convert_element_type3A = arith.extui %lt3A : vector<512x1xi1> to vector<512x1xi32>
    %convert_element_type3A_32 = arith.sitofp %convert_element_type3A : vector<512x1xi32> to vector<512x1xf32>
    %add3A_33 = arith.addf %min3A_13, %convert_element_type3A_32 : vector<512x1xf32>
    %iota3A = tpu.iota {dimensions = array<i32: 1>} : vector<512x40xi32>
    %convert_element_type3A_34 = arith.sitofp %iota3A : vector<512x40xi32> to vector<512x40xf32>
    %eq3A = vector.broadcast %add3A_33 : vector<512x1xf32> to vector<512x40xf32>
    %eq3A_35 = arith.cmpf oeq, %convert_element_type3A_34, %eq3A : vector<512x40xf32>
    %convert_element_type3A_36 = arith.extui %eq3A_35 : vector<512x40xi1> to vector<512x40xi32>
    %convert_element_type3A_37 = arith.sitofp %convert_element_type3A_36 : vector<512x40xi32> to vector<512x40xf32>
    %get3A_38 = arith.constant 0 : index
    %get3A_39 = arith.constant 0 : index
    %get3A_40 = vector.load %arg1[%get3A_38, %get3A_39] : memref<512x1xf32, #tpu.memory_space<vmem>>, vector<512x1xf32>
    %mul3A_41 = arith.constant 4.990000e+02 : f32
    %mul3A_42 = vector.broadcast %mul3A_41 : f32 to vector<512x1xf32>
    %mul3A_43 = arith.mulf %mul3A_42, %get3A_40 : vector<512x1xf32>
    %add3A_44 = arith.constant 1.000000e+00 : f32
    %add3A_45 = vector.broadcast %add3A_44 : f32 to vector<512x1xf32>
    %add3A_46 = arith.addf %add3A_45, %mul3A_43 : vector<512x1xf32>
    %get3A_47 = arith.constant 0 : index
    %get3A_48 = arith.constant 0 : index
    %get3A_49 = vector.load %arg4[%get3A_47, %get3A_48] : memref<1x32xf32, #tpu.memory_space<vmem>>, vector<1x32xf32>
    %neg3A = arith.constant 0.000000e+00 : f32
    %neg3A_50 = vector.broadcast %neg3A : f32 to vector<1x32xf32>
    %neg3A_51 = arith.subf %neg3A_50, %get3A_49 : vector<1x32xf32>
    %div3A = vector.broadcast %neg3A_51 : vector<1x32xf32> to vector<512x32xf32>
    %div3A_52 = vector.broadcast %add3A_46 : vector<512x1xf32> to vector<512x32xf32>
    %div3A_53 = arith.divf %div3A, %div3A_52 : vector<512x32xf32>
    %exp3A = math.exp %div3A_53 : vector<512x32xf32>
    %get3A_54 = arith.constant 0 : index
    %get3A_55 = arith.constant 0 : index
    %get3A_56 = vector.load %arg3[%get3A_54, %get3A_55] : memref<512x32xf32, #tpu.memory_space<vmem>>, vector<512x32xf32>
    %mul3A_57 = arith.mulf %exp3A, %get3A_56 : vector<512x32xf32>
    %mul3A_58 = arith.mulf %exp3A, %exp3A : vector<512x32xf32>
    %broadcast_in_dim3A = arith.constant 0.000000e+00 : f32
    %broadcast_in_dim3A_59 = vector.broadcast %broadcast_in_dim3A : f32 to vector<512x64xf32>
    %concatenate3A = tpu.concatenate %mul3A_57, %mul3A_58, %broadcast_in_dim3A_59 in 1 : vector<512x32xf32>, vector<512x32xf32>, vector<512x64xf32> -> vector<512x128xf32>
    %swap3A = arith.constant 0 : index
    %swap3A_60 = arith.constant 0 : index
    %swap3A_61 = vector.load %arg5[%swap3A, %swap3A_60] : memref<512x128xf32, #tpu.memory_space<vmem>>, vector<512x128xf32>
    tpu.vector_store %arg5[%swap3A, %swap3A_60], %concatenate3A {strides = array<i32>} : memref<512x128xf32, #tpu.memory_space<vmem>>, vector<512x128xf32>,
    %eq3A_62 = arith.constant 0 : i32
    %eq3A_63 = arith.cmpi eq, %arg0, %eq3A_62 : i32
    %convert_element_type3A_64 = arith.extui %eq3A_63 : i1 to i32
    %cond3A = arith.constant 0 : i32
    %cond3A_65 = arith.cmpi ne, %convert_element_type3A_64, %cond3A : i32
    scf.if %cond3A_65 {
      %broadcast_in_dim3A_117 = arith.constant 0.000000e+00 : f32
      %broadcast_in_dim3A_118 = vector.broadcast %broadcast_in_dim3A_117 : f32 to vector<1x40xf32>
      %swap3A_119 = arith.constant 0 : index
      %swap3A_120 = arith.constant 0 : index
      %swap3A_121 = vector.load %arg9[%swap3A_119, %swap3A_120] : memref<1x40xf32, #tpu.memory_space<vmem>>, vector<1x40xf32>
      tpu.vector_store %arg9[%swap3A_119, %swap3A_120], %broadcast_in_dim3A_118 {strides = array<i32>} : memref<1x40xf32, #tpu.memory_space<vmem>>, vector<1x40xf32>,
      %swap3A_122 = arith.constant 0.000000e+00 : f32
      %swap3A_123 = arith.constant 0 : index
      %swap3A_124 = arith.constant 0 : index
      %swap3A_125 = memref.load %arg11[%swap3A_123, %swap3A_124] : memref<1x1xf32, #tpu.memory_space<smem>>
      memref.store %swap3A_122, %arg11[%swap3A_123, %swap3A_124] : memref<1x1xf32, #tpu.memory_space<smem>>
      %iota3A_126 = tpu.iota {dimensions = array<i32: 0>} : vector<512x512xi32>
      %iota3A_127 = tpu.iota {dimensions = array<i32: 1>} : vector<512x512xi32>
      %lt3A_128 = arith.cmpi slt, %iota3A_127, %iota3A_126 : vector<512x512xi32>
      %convert_element_type3A_129 = arith.extui %lt3A_128 : vector<512x512xi1> to vector<512x512xi32>
      %convert_element_type3A_130 = arith.sitofp %convert_element_type3A_129 : vector<512x512xi32> to vector<512x512xf32>
      %swap3A_131 = arith.constant 0 : index
      %swap3A_132 = arith.constant 0 : index
      %swap3A_133 = vector.load %arg10[%swap3A_131, %swap3A_132] : memref<512x512xf32, #tpu.memory_space<vmem>>, vector<512x512xf32>
      tpu.vector_store %arg10[%swap3A_131, %swap3A_132], %convert_element_type3A_130 {strides = array<i32>} : memref<512x512xf32, #tpu.memory_space<vmem>>, vector<512x512xf32>,
    } else {
    }
    %get3A_66 = arith.constant 0 : index
    %get3A_67 = arith.constant 0 : index
    %get3A_68 = vector.load %arg10[%get3A_66, %get3A_67] : memref<512x512xf32, #tpu.memory_space<vmem>>, vector<512x512xf32>
    %dot_general3A = arith.constant dense<0.000000e+00> : vector<512x40xf32>
    %dot_general3A_69 = tpu.matmul %get3A_68, %convert_element_type3A_37, %dot_general3A {dimension_numbers = #tpu.dot_dimension_numbers<[1], [0], [0], [1], [0, 0, 1, 1], [], []>, transpose_lhs_hint = false} : vector<512x512xf32>, vector<512x40xf32>, vector<512x40xf32> -> vector<512x40xf32>
    %get3A_70 = arith.constant 0 : index
    %get3A_71 = arith.constant 0 : index
    %get3A_72 = vector.load %arg9[%get3A_70, %get3A_71] : memref<1x40xf32, #tpu.memory_space<vmem>>, vector<1x40xf32>
    %add3A_73 = vector.broadcast %get3A_72 : vector<1x40xf32> to vector<512x40xf32>
    %add3A_74 = arith.addf %add3A_73, %dot_general3A_69 : vector<512x40xf32>
    %mul3A_75 = arith.mulf %convert_element_type3A_37, %add3A_74 : vector<512x40xf32>
    %reduce_sum3A = arith.constant dense<0.000000e+00> : vector<512xf32>
    %reduce_sum3A_76 = vector.multi_reduction <add>, %mul3A_75, %reduce_sum3A [1] : vector<512x40xf32> to vector<512xf32>
    %broadcast_in_dim3A_77 = vector.shape_cast %reduce_sum3A_76 : vector<512xf32> to vector<512x1xf32>
    %mul3A_78 = arith.constant 5.120000e+02 : f32
    %mul3A_79 = vector.broadcast %mul3A_78 : f32 to vector<512x1xf32>
    %mul3A_80 = arith.mulf %add3A_33, %mul3A_79 : vector<512x1xf32>
    %add3A_81 = arith.addf %mul3A_80, %broadcast_in_dim3A_77 : vector<512x1xf32>
    %min3A_82 = arith.constant 2.048000e+04 : f32
    %min3A_83 = vector.broadcast %min3A_82 : f32 to vector<512x1xf32>
    %min3A_84 = arith.minimumf %add3A_81, %min3A_83 : vector<512x1xf32>
    %convert_element_type3A_85 = arith.fptosi %min3A_84 : vector<512x1xf32> to vector<512x1xi32>
    %swap3A_86 = arith.constant 0 : index
    %swap3A_87 = arith.constant 0 : index
    %swap3A_88 = vector.load %arg6[%swap3A_86, %swap3A_87] : memref<512x1xi32, #tpu.memory_space<vmem>>, vector<512x1xi32>
    tpu.vector_store %arg6[%swap3A_86, %swap3A_87], %convert_element_type3A_85 {strides = array<i32>} : memref<512x1xi32, #tpu.memory_space<vmem>>, vector<512x1xi32>,
    %get3A_89 = arith.constant 0 : index
    %get3A_90 = arith.constant 0 : index
    %get3A_91 = vector.load %arg9[%get3A_89, %get3A_90] : memref<1x40xf32, #tpu.memory_space<vmem>>, vector<1x40xf32>
    %reduce_sum3A_92 = arith.constant dense<0.000000e+00> : vector<40xf32>
    %reduce_sum3A_93 = vector.multi_reduction <add>, %convert_element_type3A_37, %reduce_sum3A_92 [0] : vector<512x40xf32> to vector<40xf32>
    %broadcast_in_dim3A_94 = vector.shape_cast %reduce_sum3A_93 : vector<40xf32> to vector<1x40xf32>
    %add3A_95 = arith.addf %get3A_91, %broadcast_in_dim3A_94 : vector<1x40xf32>
    %swap3A_96 = arith.constant 0 : index
    %swap3A_97 = arith.constant 0 : index
    %swap3A_98 = vector.load %arg9[%swap3A_96, %swap3A_97] : memref<1x40xf32, #tpu.memory_space<vmem>>, vector<1x40xf32>
    tpu.vector_store %arg9[%swap3A_96, %swap3A_97], %add3A_95 {strides = array<i32>} : memref<1x40xf32, #tpu.memory_space<vmem>>, vector<1x40xf32>,
    %get3A_99 = arith.constant 0 : index
    %get3A_100 = arith.constant 0 : index
    %get3A_101 = memref.load %arg11[%get3A_99, %get3A_100] : memref<1x1xf32, #tpu.memory_space<smem>>
    %mul3A_102 = arith.mulf %get3A_56, %get3A_56 : vector<512x32xf32>
    %reduce_sum3A_103 = vector.shape_cast %mul3A_102 : vector<512x32xf32> to vector<1x512x32xf32>
    %reduce_sum3A_104 = arith.constant dense<0.000000e+00> : vector<1xf32>
    %reduce_sum3A_105 = vector.multi_reduction <add>, %reduce_sum3A_103, %reduce_sum3A_104 [1, 2] : vector<1x512x32xf32> to vector<1xf32>
    %reduce_sum3A_106 = vector.shape_cast %reduce_sum3A_105 : vector<1xf32> to vector<1x1x1xf32>
    %reduce_sum3A_107 = vector.extract %reduce_sum3A_106[0, 0, 0] : f32 from vector<1x1x1xf32>
    %add3A_108 = arith.addf %get3A_101, %reduce_sum3A_107 : f32
    %swap3A_109 = arith.constant 0 : index
    %swap3A_110 = arith.constant 0 : index
    %swap3A_111 = memref.load %arg11[%swap3A_109, %swap3A_110] : memref<1x1xf32, #tpu.memory_space<smem>>
    memref.store %add3A_108, %arg11[%swap3A_109, %swap3A_110] : memref<1x1xf32, #tpu.memory_space<smem>>
    %eq3A_112 = arith.constant 17 : i32
    %eq3A_113 = arith.cmpi eq, %arg0, %eq3A_112 : i32
    %convert_element_type3A_114 = arith.extui %eq3A_113 : i1 to i32
    %cond3A_115 = arith.constant 0 : i32
    %cond3A_116 = arith.cmpi ne, %convert_element_type3A_114, %cond3A_115 : i32
    scf.if %cond3A_116 {
      %get3A_117 = arith.constant 0 : index
      %get3A_118 = arith.constant 0 : index
      %get3A_119 = vector.load %arg9[%get3A_117, %get3A_118] : memref<1x40xf32, #tpu.memory_space<vmem>>, vector<1x40xf32>
      %iota3A_120 = tpu.iota {dimensions = array<i32: 0>} : vector<160x1xi32>
      %jit3A_121 = arith.constant 4 : i32
      %div3A_122 = vector.broadcast %jit3A_121 : i32 to vector<160x1xi32>
      %div3A_123 = arith.divsi %iota3A_120, %div3A_122 : vector<160x1xi32>
      %sign3A = arith.constant 0 : i32
      %sign3A_124 = vector.broadcast %sign3A : i32 to vector<160x1xi32>
      %sign3A_125 = arith.cmpi sgt, %iota3A_120, %sign3A_124 : vector<160x1xi32>
      %sign3A_126 = arith.extui %sign3A_125 : vector<160x1xi1> to vector<160x1xi32>
      %sign3A_127 = arith.constant 0 : i32
      %sign3A_128 = vector.broadcast %sign3A_127 : i32 to vector<160x1xi32>
      %sign3A_129 = arith.cmpi slt, %iota3A_120, %sign3A_128 : vector<160x1xi32>
      %sign3A_130 = arith.extui %sign3A_129 : vector<160x1xi1> to vector<160x1xi32>
      %sign3A_131 = arith.subi %sign3A_126, %sign3A_130 : vector<160x1xi32>
      %sign3A_132 = arith.constant 0 : i32
      %sign3A_133 = arith.cmpi sgt, %jit3A_121, %sign3A_132 : i32
      %sign3A_134 = arith.extui %sign3A_133 : i1 to i32
      %sign3A_135 = arith.constant 0 : i32
      %sign3A_136 = arith.cmpi slt, %jit3A_121, %sign3A_135 : i32
      %sign3A_137 = arith.extui %sign3A_136 : i1 to i32
      %sign3A_138 = arith.subi %sign3A_134, %sign3A_137 : i32
      %ne3A = vector.broadcast %sign3A_138 : i32 to vector<160x1xi32>
      %ne3A_139 = arith.cmpi ne, %sign3A_131, %ne3A : vector<160x1xi32>
      %rem3A = vector.broadcast %jit3A_121 : i32 to vector<160x1xi32>
      %rem3A_140 = arith.remsi %iota3A_120, %rem3A : vector<160x1xi32>
      %ne3A_141 = arith.constant 0 : i32
      %ne3A_142 = vector.broadcast %ne3A_141 : i32 to vector<160x1xi32>
      %ne3A_143 = arith.cmpi ne, %rem3A_140, %ne3A_142 : vector<160x1xi32>
      %and3A = arith.andi %ne3A_139, %ne3A_143 : vector<160x1xi1>
      %sub3A_144 = arith.constant 1 : i32
      %sub3A_145 = vector.broadcast %sub3A_144 : i32 to vector<160x1xi32>
      %sub3A_146 = arith.subi %div3A_123, %sub3A_145 : vector<160x1xi32>
      %select_n3A = arith.select %and3A, %sub3A_146, %div3A_123 : vector<160x1xi1>, vector<160x1xi32>
      %iota3A_147 = tpu.iota {dimensions = array<i32: 1>} : vector<160x40xi32>
      %eq3A_148 = vector.broadcast %select_n3A : vector<160x1xi32> to vector<160x40xi32>
      %eq3A_149 = arith.cmpi eq, %iota3A_147, %eq3A_148 : vector<160x40xi32>
      %convert_element_type3A_150 = arith.extui %eq3A_149 : vector<160x40xi1> to vector<160x40xi32>
      %convert_element_type3A_151 = arith.sitofp %convert_element_type3A_150 : vector<160x40xi32> to vector<160x40xf32>
      %mul3A_152 = vector.broadcast %get3A_119 : vector<1x40xf32> to vector<160x40xf32>
      %mul3A_153 = arith.mulf %convert_element_type3A_151, %mul3A_152 : vector<160x40xf32>
      %reduce_sum3A_154 = arith.constant dense<0.000000e+00> : vector<160xf32>
      %reduce_sum3A_155 = vector.multi_reduction <add>, %mul3A_153, %reduce_sum3A_154 [1] : vector<160x40xf32> to vector<160xf32>
      %broadcast_in_dim3A_156 = vector.shape_cast %reduce_sum3A_155 : vector<160xf32> to vector<160x1xf32>
      %mul3A_157 = arith.constant 4 : i32
      %mul3A_158 = vector.broadcast %mul3A_157 : i32 to vector<160x1xi32>
      %mul3A_159 = arith.muli %select_n3A, %mul3A_158 : vector<160x1xi32>
      %sub3A_160 = arith.subi %iota3A_120, %mul3A_159 : vector<160x1xi32>
      %convert_element_type3A_161 = arith.sitofp %sub3A_160 : vector<160x1xi32> to vector<160x1xf32>
      %mul3A_162 = arith.constant 1.280000e+02 : f32
      %mul3A_163 = vector.broadcast %mul3A_162 : f32 to vector<160x1xf32>
      %mul3A_164 = arith.mulf %convert_element_type3A_161, %mul3A_163 : vector<160x1xf32>
      %sub3A_165 = arith.subf %broadcast_in_dim3A_156, %mul3A_164 : vector<160x1xf32>
      %jit3A_166 = arith.constant 0.000000e+00 : f32
      %jit3A_167 = arith.constant 1.280000e+02 : f32
      %max3A_168 = vector.broadcast %jit3A_166 : f32 to vector<160x1xf32>
      %max3A_169 = arith.maximumf %max3A_168, %sub3A_165 : vector<160x1xf32>
      %min3A_170 = vector.broadcast %jit3A_167 : f32 to vector<160x1xf32>
      %min3A_171 = arith.minimumf %min3A_170, %max3A_169 : vector<160x1xf32>
      %convert_element_type3A_172 = arith.fptosi %min3A_171 : vector<160x1xf32> to vector<160x1xi32>
      %swap3A_173 = arith.constant 0 : index
      %swap3A_174 = arith.constant 0 : index
      %swap3A_175 = vector.load %arg7[%swap3A_173, %swap3A_174] : memref<160x1xi32, #tpu.memory_space<vmem>>, vector<160x1xi32>
      tpu.vector_store %arg7[%swap3A_173, %swap3A_174], %convert_element_type3A_172 {strides = array<i32>} : memref<160x1xi32, #tpu.memory_space<vmem>>, vector<160x1xi32>,
      %get3A_176 = arith.constant 0 : index
      %get3A_177 = arith.constant 0 : index
      %get3A_178 = memref.load %arg11[%get3A_176, %get3A_177] : memref<1x1xf32, #tpu.memory_space<smem>>
      %swap3A_179 = arith.constant 0 : index
      %swap3A_180 = arith.constant 0 : index
      %swap3A_181 = memref.load %arg8[%swap3A_179, %swap3A_180] : memref<1x1xf32, #tpu.memory_space<smem>>
      memref.store %get3A_178, %arg8[%swap3A_179, %swap3A_180] : memref<1x1xf32, #tpu.memory_space<smem>>
    } else {
    }
    return
  }
  func.func @transform_0(%arg0: i32) -> (i32, i32) {
    %c0_i32 = arith.constant 0 : i32
    %c0_i32_0 = arith.constant 0 : i32
    return %arg0, %c0_i32 : i32, i32
  }
  func.func @transform_1(%arg0: i32) -> (i32, i32) {
    %c0_i32 = arith.constant 0 : i32
    %c0_i32_0 = arith.constant 0 : i32
    return %arg0, %c0_i32 : i32, i32
  }
  func.func @transform_2(%arg0: i32) -> (i32, i32) {
    %c0_i32 = arith.constant 0 : i32
    %c0_i32_0 = arith.constant 0 : i32
    return %arg0, %c0_i32 : i32, i32
  }
  func.func @transform_3(%arg0: i32) -> (i32, i32) {
    %c0_i32 = arith.constant 0 : i32
    %c0_i32_0 = arith.constant 0 : i32
    %c0_i32_1 = arith.constant 0 : i32
    return %c0_i32, %c0_i32_0 : i32, i32
  }
  func.func @transform_4(%arg0: i32) -> (i32, i32) {
    %c0_i32 = arith.constant 0 : i32
    %c0_i32_0 = arith.constant 0 : i32
    return %arg0, %c0_i32 : i32, i32
  }
  func.func @transform_5(%arg0: i32) -> (i32, i32) {
    %c0_i32 = arith.constant 0 : i32
    %c0_i32_0 = arith.constant 0 : i32
    return %arg0, %c0_i32 : i32, i32
  }
  func.func @transform_6(%arg0: i32) -> (i32, i32) {
    %c0_i32 = arith.constant 0 : i32
    %c0_i32_0 = arith.constant 0 : i32
    %c0_i32_1 = arith.constant 0 : i32
    return %c0_i32, %c0_i32_0 : i32, i32
  }
  func.func @transform_7(%arg0: i32) -> (i32, i32) {
    %c0_i32 = arith.constant 0 : i32
    %c0_i32_0 = arith.constant 0 : i32
    %c0_i32_1 = arith.constant 0 : i32
    return %c0_i32, %c0_i32_0 : i32, i32
  }
}

module attributes {stable_mosaic.version = 14 : i64} {
  func.func @_main_kernel(%arg0: i32, %arg1: memref<160xi32, #tpu.memory_space<smem>>, %arg2: memref<1024x128xf32, #tpu.memory_space<vmem>>, %arg3: memref<40x32x150xf32, #tpu.memory_space<vmem>>, %arg4: memref<96x96xf32, #tpu.memory_space<vmem>>, %arg5: memref<1x1xf32, #tpu.memory_space<smem>>, %arg6: memref<1x1xf32, #tpu.memory_space<smem>>, %arg7: memref<128x150xf32, #tpu.memory_space<vmem>>) attributes {dimension_semantics = [#tpu.dimension_semantics<arbitrary>], iteration_bounds = array<i64: 20>, scalar_prefetch = 0 : i64, scratch_operands = 1 : i64, tpu.core_type = #tpu.core_type<tc>, window_params = [{transform_indices = @transform_0, window_bounds = array<i64: 160>}, {transform_indices = @transform_1, window_bounds = array<i64: 1024, 128>}, {pipeline_mode = #tpu.pipeline_mode<synchronous>, transform_indices = @transform_2, window_bounds = array<i64: 40, 32, 150>}, {pipeline_mode = #tpu.pipeline_mode<synchronous>, transform_indices = @transform_3, window_bounds = array<i64: 96, 96>}, {transform_indices = @transform_4, window_bounds = array<i64: 1, 1>}, {transform_indices = @transform_5, window_bounds = array<i64: 1, 1>}]} {
    %eq3A = arith.constant 0 : i32
    %eq3A_0 = arith.cmpi eq, %arg0, %eq3A : i32
    %convert_element_type3A = arith.extui %eq3A_0 : i1 to i32
    %cond3A = arith.constant 0 : i32
    %cond3A_1 = arith.cmpi ne, %convert_element_type3A, %cond3A : i32
    scf.if %cond3A_1 {
      %broadcast_in_dim3A = arith.constant 0.000000e+00 : f32
      %broadcast_in_dim3A_439 = vector.broadcast %broadcast_in_dim3A : f32 to vector<128x150xf32>
      %swap3A_440 = arith.constant 0 : index
      %swap3A_441 = arith.constant 0 : index
      %swap3A_442 = vector.load %arg7[%swap3A_440, %swap3A_441] : memref<128x150xf32, #tpu.memory_space<vmem>>, vector<128x150xf32>
      tpu.vector_store %arg7[%swap3A_440, %swap3A_441], %broadcast_in_dim3A_439 {strides = array<i32>} : memref<128x150xf32, #tpu.memory_space<vmem>>, vector<128x150xf32>,
    } else {
    }
    %get3A = arith.constant 0 : index
    %get3A_2 = arith.constant 0 : index
    %get3A_3 = vector.load %arg2[%get3A, %get3A_2] : memref<1024x128xf32, #tpu.memory_space<vmem>>, vector<1024x128xf32>
    %iota3A = tpu.iota {dimensions = array<i32: 0>} : vector<128x64xi32>
    %iota3A_4 = tpu.iota {dimensions = array<i32: 1>} : vector<128x64xi32>
    %eq3A_5 = arith.constant 32 : i32
    %eq3A_6 = vector.broadcast %eq3A_5 : i32 to vector<128x64xi32>
    %eq3A_7 = arith.cmpi eq, %iota3A_4, %eq3A_6 : vector<128x64xi32>
    %convert_element_type3A_8 = arith.extui %eq3A_7 : vector<128x64xi1> to vector<128x64xi32>
    %convert_element_type3A_9 = arith.sitofp %convert_element_type3A_8 : vector<128x64xi32> to vector<128x64xf32>
    %mul3A = arith.constant 8 : i32
    %mul3A_10 = arith.muli %arg0, %mul3A : i32
    %add3A = arith.constant 0 : i32
    %add3A_11 = arith.addi %mul3A_10, %add3A : i32
    %get3A_12 = arith.index_cast %add3A_11 : i32 to index
    %get3A_13 = memref.load %arg1[%get3A_12] : memref<160xi32, #tpu.memory_space<smem>>
    %jit3A = arith.constant 4 : i32
    %div3A = arith.divsi %add3A_11, %jit3A : i32
    %sign3A = arith.constant 0 : i32
    %sign3A_14 = arith.cmpi sgt, %add3A_11, %sign3A : i32
    %sign3A_15 = arith.extui %sign3A_14 : i1 to i32
    %sign3A_16 = arith.constant 0 : i32
    %sign3A_17 = arith.cmpi slt, %add3A_11, %sign3A_16 : i32
    %sign3A_18 = arith.extui %sign3A_17 : i1 to i32
    %sign3A_19 = arith.subi %sign3A_15, %sign3A_18 : i32
    %sign3A_20 = arith.constant 0 : i32
    %sign3A_21 = arith.cmpi sgt, %jit3A, %sign3A_20 : i32
    %sign3A_22 = arith.extui %sign3A_21 : i1 to i32
    %sign3A_23 = arith.constant 0 : i32
    %sign3A_24 = arith.cmpi slt, %jit3A, %sign3A_23 : i32
    %sign3A_25 = arith.extui %sign3A_24 : i1 to i32
    %sign3A_26 = arith.subi %sign3A_22, %sign3A_25 : i32
    %ne3A = arith.cmpi ne, %sign3A_19, %sign3A_26 : i32
    %rem3A = arith.remsi %add3A_11, %jit3A : i32
    %ne3A_27 = arith.constant 0 : i32
    %ne3A_28 = arith.cmpi ne, %rem3A, %ne3A_27 : i32
    %and3A = arith.andi %ne3A, %ne3A_28 : i1
    %sub3A = arith.constant 1 : i32
    %sub3A_29 = arith.subi %div3A, %sub3A : i32
    %select_n3A = arith.select %and3A, %sub3A_29, %div3A : i32
    %slice3A = vector.extract_strided_slice %get3A_3 {offsets = [0, 0], sizes = [128, 64], strides = [1, 1]} : vector<1024x128xf32> to vector<128x64xf32>
    %lt3A = vector.broadcast %get3A_13 : i32 to vector<128x64xi32>
    %lt3A_30 = arith.cmpi slt, %iota3A, %lt3A : vector<128x64xi32>
    %select_n3A_31 = arith.select %lt3A_30, %slice3A, %convert_element_type3A_9 : vector<128x64xi1>, vector<128x64xf32>
    %slice3A_32 = vector.extract_strided_slice %select_n3A_31 {offsets = [0, 0], sizes = [128, 32], strides = [1, 1]} : vector<128x64xf32> to vector<128x32xf32>
    %slice3A_33 = vector.extract_strided_slice %select_n3A_31 {offsets = [0, 32], sizes = [128, 32], strides = [1, 1]} : vector<128x64xf32> to vector<128x32xf32>
    %get3A_34 = arith.index_cast %select_n3A : i32 to index
    %get3A_35 = arith.constant 0 : index
    %get3A_36 = arith.constant 0 : index
    %get3A_37 = vector.load %arg3[%get3A_34, %get3A_35, %get3A_36] : memref<40x32x150xf32, #tpu.memory_space<vmem>>, vector<1x32x150xf32>
    %squeeze3A = vector.shape_cast %get3A_37 : vector<1x32x150xf32> to vector<32x150xf32>
    %dot_general3A = arith.constant dense<0.000000e+00> : vector<128x150xf32>
    %dot_general3A_38 = tpu.matmul %slice3A_32, %squeeze3A, %dot_general3A {dimension_numbers = #tpu.dot_dimension_numbers<[1], [0], [0], [1], [0, 0, 1, 1], [], []>, transpose_lhs_hint = false} : vector<128x32xf32>, vector<32x150xf32>, vector<128x150xf32> -> vector<128x150xf32>
    %mul3A_39 = arith.mulf %squeeze3A, %squeeze3A : vector<32x150xf32>
    %dot_general3A_40 = arith.constant dense<0.000000e+00> : vector<128x150xf32>
    %dot_general3A_41 = tpu.matmul %slice3A_33, %mul3A_39, %dot_general3A_40 {dimension_numbers = #tpu.dot_dimension_numbers<[1], [0], [0], [1], [0, 0, 1, 1], [], []>, transpose_lhs_hint = false} : vector<128x32xf32>, vector<32x150xf32>, vector<128x150xf32> -> vector<128x150xf32>
    %get3A_42 = arith.constant 0 : index
    %get3A_43 = arith.constant 0 : index
    %get3A_44 = vector.load %arg7[%get3A_42, %get3A_43] : memref<128x150xf32, #tpu.memory_space<vmem>>, vector<128x150xf32>
    %rsqrt3A = math.rsqrt %dot_general3A_41 : vector<128x150xf32>
    %mul3A_45 = arith.mulf %dot_general3A_38, %rsqrt3A : vector<128x150xf32>
    %add3A_46 = arith.addf %get3A_44, %mul3A_45 : vector<128x150xf32>
    %swap3A = arith.constant 0 : index
    %swap3A_47 = arith.constant 0 : index
    %swap3A_48 = vector.load %arg7[%swap3A, %swap3A_47] : memref<128x150xf32, #tpu.memory_space<vmem>>, vector<128x150xf32>
    tpu.vector_store %arg7[%swap3A, %swap3A_47], %add3A_46 {strides = array<i32>} : memref<128x150xf32, #tpu.memory_space<vmem>>, vector<128x150xf32>,
    %mul3A_49 = arith.constant 8 : i32
    %mul3A_50 = arith.muli %arg0, %mul3A_49 : i32
    %add3A_51 = arith.constant 1 : i32
    %add3A_52 = arith.addi %mul3A_50, %add3A_51 : i32
    %get3A_53 = arith.index_cast %add3A_52 : i32 to index
    %get3A_54 = memref.load %arg1[%get3A_53] : memref<160xi32, #tpu.memory_space<smem>>
    %jit3A_55 = arith.constant 4 : i32
    %div3A_56 = arith.divsi %add3A_52, %jit3A_55 : i32
    %sign3A_57 = arith.constant 0 : i32
    %sign3A_58 = arith.cmpi sgt, %add3A_52, %sign3A_57 : i32
    %sign3A_59 = arith.extui %sign3A_58 : i1 to i32
    %sign3A_60 = arith.constant 0 : i32
    %sign3A_61 = arith.cmpi slt, %add3A_52, %sign3A_60 : i32
    %sign3A_62 = arith.extui %sign3A_61 : i1 to i32
    %sign3A_63 = arith.subi %sign3A_59, %sign3A_62 : i32
    %sign3A_64 = arith.constant 0 : i32
    %sign3A_65 = arith.cmpi sgt, %jit3A_55, %sign3A_64 : i32
    %sign3A_66 = arith.extui %sign3A_65 : i1 to i32
    %sign3A_67 = arith.constant 0 : i32
    %sign3A_68 = arith.cmpi slt, %jit3A_55, %sign3A_67 : i32
    %sign3A_69 = arith.extui %sign3A_68 : i1 to i32
    %sign3A_70 = arith.subi %sign3A_66, %sign3A_69 : i32
    %ne3A_71 = arith.cmpi ne, %sign3A_63, %sign3A_70 : i32
    %rem3A_72 = arith.remsi %add3A_52, %jit3A_55 : i32
    %ne3A_73 = arith.constant 0 : i32
    %ne3A_74 = arith.cmpi ne, %rem3A_72, %ne3A_73 : i32
    %and3A_75 = arith.andi %ne3A_71, %ne3A_74 : i1
    %sub3A_76 = arith.constant 1 : i32
    %sub3A_77 = arith.subi %div3A_56, %sub3A_76 : i32
    %select_n3A_78 = arith.select %and3A_75, %sub3A_77, %div3A_56 : i32
    %slice3A_79 = vector.extract_strided_slice %get3A_3 {offsets = [128, 0], sizes = [128, 64], strides = [1, 1]} : vector<1024x128xf32> to vector<128x64xf32>
    %lt3A_80 = vector.broadcast %get3A_54 : i32 to vector<128x64xi32>
    %lt3A_81 = arith.cmpi slt, %iota3A, %lt3A_80 : vector<128x64xi32>
    %select_n3A_82 = arith.select %lt3A_81, %slice3A_79, %convert_element_type3A_9 : vector<128x64xi1>, vector<128x64xf32>
    %slice3A_83 = vector.extract_strided_slice %select_n3A_82 {offsets = [0, 0], sizes = [128, 32], strides = [1, 1]} : vector<128x64xf32> to vector<128x32xf32>
    %slice3A_84 = vector.extract_strided_slice %select_n3A_82 {offsets = [0, 32], sizes = [128, 32], strides = [1, 1]} : vector<128x64xf32> to vector<128x32xf32>
    %get3A_85 = arith.index_cast %select_n3A_78 : i32 to index
    %get3A_86 = arith.constant 0 : index
    %get3A_87 = arith.constant 0 : index
    %get3A_88 = vector.load %arg3[%get3A_85, %get3A_86, %get3A_87] : memref<40x32x150xf32, #tpu.memory_space<vmem>>, vector<1x32x150xf32>
    %squeeze3A_89 = vector.shape_cast %get3A_88 : vector<1x32x150xf32> to vector<32x150xf32>
    %dot_general3A_90 = arith.constant dense<0.000000e+00> : vector<128x150xf32>
    %dot_general3A_91 = tpu.matmul %slice3A_83, %squeeze3A_89, %dot_general3A_90 {dimension_numbers = #tpu.dot_dimension_numbers<[1], [0], [0], [1], [0, 0, 1, 1], [], []>, transpose_lhs_hint = false} : vector<128x32xf32>, vector<32x150xf32>, vector<128x150xf32> -> vector<128x150xf32>
    %mul3A_92 = arith.mulf %squeeze3A_89, %squeeze3A_89 : vector<32x150xf32>
    %dot_general3A_93 = arith.constant dense<0.000000e+00> : vector<128x150xf32>
    %dot_general3A_94 = tpu.matmul %slice3A_84, %mul3A_92, %dot_general3A_93 {dimension_numbers = #tpu.dot_dimension_numbers<[1], [0], [0], [1], [0, 0, 1, 1], [], []>, transpose_lhs_hint = false} : vector<128x32xf32>, vector<32x150xf32>, vector<128x150xf32> -> vector<128x150xf32>
    %get3A_95 = arith.constant 0 : index
    %get3A_96 = arith.constant 0 : index
    %get3A_97 = vector.load %arg7[%get3A_95, %get3A_96] : memref<128x150xf32, #tpu.memory_space<vmem>>, vector<128x150xf32>
    %rsqrt3A_98 = math.rsqrt %dot_general3A_94 : vector<128x150xf32>
    %mul3A_99 = arith.mulf %dot_general3A_91, %rsqrt3A_98 : vector<128x150xf32>
    %add3A_100 = arith.addf %get3A_97, %mul3A_99 : vector<128x150xf32>
    %swap3A_101 = arith.constant 0 : index
    %swap3A_102 = arith.constant 0 : index
    %swap3A_103 = vector.load %arg7[%swap3A_101, %swap3A_102] : memref<128x150xf32, #tpu.memory_space<vmem>>, vector<128x150xf32>
    tpu.vector_store %arg7[%swap3A_101, %swap3A_102], %add3A_100 {strides = array<i32>} : memref<128x150xf32, #tpu.memory_space<vmem>>, vector<128x150xf32>,
    %mul3A_104 = arith.constant 8 : i32
    %mul3A_105 = arith.muli %arg0, %mul3A_104 : i32
    %add3A_106 = arith.constant 2 : i32
    %add3A_107 = arith.addi %mul3A_105, %add3A_106 : i32
    %get3A_108 = arith.index_cast %add3A_107 : i32 to index
    %get3A_109 = memref.load %arg1[%get3A_108] : memref<160xi32, #tpu.memory_space<smem>>
    %jit3A_110 = arith.constant 4 : i32
    %div3A_111 = arith.divsi %add3A_107, %jit3A_110 : i32
    %sign3A_112 = arith.constant 0 : i32
    %sign3A_113 = arith.cmpi sgt, %add3A_107, %sign3A_112 : i32
    %sign3A_114 = arith.extui %sign3A_113 : i1 to i32
    %sign3A_115 = arith.constant 0 : i32
    %sign3A_116 = arith.cmpi slt, %add3A_107, %sign3A_115 : i32
    %sign3A_117 = arith.extui %sign3A_116 : i1 to i32
    %sign3A_118 = arith.subi %sign3A_114, %sign3A_117 : i32
    %sign3A_119 = arith.constant 0 : i32
    %sign3A_120 = arith.cmpi sgt, %jit3A_110, %sign3A_119 : i32
    %sign3A_121 = arith.extui %sign3A_120 : i1 to i32
    %sign3A_122 = arith.constant 0 : i32
    %sign3A_123 = arith.cmpi slt, %jit3A_110, %sign3A_122 : i32
    %sign3A_124 = arith.extui %sign3A_123 : i1 to i32
    %sign3A_125 = arith.subi %sign3A_121, %sign3A_124 : i32
    %ne3A_126 = arith.cmpi ne, %sign3A_118, %sign3A_125 : i32
    %rem3A_127 = arith.remsi %add3A_107, %jit3A_110 : i32
    %ne3A_128 = arith.constant 0 : i32
    %ne3A_129 = arith.cmpi ne, %rem3A_127, %ne3A_128 : i32
    %and3A_130 = arith.andi %ne3A_126, %ne3A_129 : i1
    %sub3A_131 = arith.constant 1 : i32
    %sub3A_132 = arith.subi %div3A_111, %sub3A_131 : i32
    %select_n3A_133 = arith.select %and3A_130, %sub3A_132, %div3A_111 : i32
    %slice3A_134 = vector.extract_strided_slice %get3A_3 {offsets = [256, 0], sizes = [128, 64], strides = [1, 1]} : vector<1024x128xf32> to vector<128x64xf32>
    %lt3A_135 = vector.broadcast %get3A_109 : i32 to vector<128x64xi32>
    %lt3A_136 = arith.cmpi slt, %iota3A, %lt3A_135 : vector<128x64xi32>
    %select_n3A_137 = arith.select %lt3A_136, %slice3A_134, %convert_element_type3A_9 : vector<128x64xi1>, vector<128x64xf32>
    %slice3A_138 = vector.extract_strided_slice %select_n3A_137 {offsets = [0, 0], sizes = [128, 32], strides = [1, 1]} : vector<128x64xf32> to vector<128x32xf32>
    %slice3A_139 = vector.extract_strided_slice %select_n3A_137 {offsets = [0, 32], sizes = [128, 32], strides = [1, 1]} : vector<128x64xf32> to vector<128x32xf32>
    %get3A_140 = arith.index_cast %select_n3A_133 : i32 to index
    %get3A_141 = arith.constant 0 : index
    %get3A_142 = arith.constant 0 : index
    %get3A_143 = vector.load %arg3[%get3A_140, %get3A_141, %get3A_142] : memref<40x32x150xf32, #tpu.memory_space<vmem>>, vector<1x32x150xf32>
    %squeeze3A_144 = vector.shape_cast %get3A_143 : vector<1x32x150xf32> to vector<32x150xf32>
    %dot_general3A_145 = arith.constant dense<0.000000e+00> : vector<128x150xf32>
    %dot_general3A_146 = tpu.matmul %slice3A_138, %squeeze3A_144, %dot_general3A_145 {dimension_numbers = #tpu.dot_dimension_numbers<[1], [0], [0], [1], [0, 0, 1, 1], [], []>, transpose_lhs_hint = false} : vector<128x32xf32>, vector<32x150xf32>, vector<128x150xf32> -> vector<128x150xf32>
    %mul3A_147 = arith.mulf %squeeze3A_144, %squeeze3A_144 : vector<32x150xf32>
    %dot_general3A_148 = arith.constant dense<0.000000e+00> : vector<128x150xf32>
    %dot_general3A_149 = tpu.matmul %slice3A_139, %mul3A_147, %dot_general3A_148 {dimension_numbers = #tpu.dot_dimension_numbers<[1], [0], [0], [1], [0, 0, 1, 1], [], []>, transpose_lhs_hint = false} : vector<128x32xf32>, vector<32x150xf32>, vector<128x150xf32> -> vector<128x150xf32>
    %get3A_150 = arith.constant 0 : index
    %get3A_151 = arith.constant 0 : index
    %get3A_152 = vector.load %arg7[%get3A_150, %get3A_151] : memref<128x150xf32, #tpu.memory_space<vmem>>, vector<128x150xf32>
    %rsqrt3A_153 = math.rsqrt %dot_general3A_149 : vector<128x150xf32>
    %mul3A_154 = arith.mulf %dot_general3A_146, %rsqrt3A_153 : vector<128x150xf32>
    %add3A_155 = arith.addf %get3A_152, %mul3A_154 : vector<128x150xf32>
    %swap3A_156 = arith.constant 0 : index
    %swap3A_157 = arith.constant 0 : index
    %swap3A_158 = vector.load %arg7[%swap3A_156, %swap3A_157] : memref<128x150xf32, #tpu.memory_space<vmem>>, vector<128x150xf32>
    tpu.vector_store %arg7[%swap3A_156, %swap3A_157], %add3A_155 {strides = array<i32>} : memref<128x150xf32, #tpu.memory_space<vmem>>, vector<128x150xf32>,
    %mul3A_159 = arith.constant 8 : i32
    %mul3A_160 = arith.muli %arg0, %mul3A_159 : i32
    %add3A_161 = arith.constant 3 : i32
    %add3A_162 = arith.addi %mul3A_160, %add3A_161 : i32
    %get3A_163 = arith.index_cast %add3A_162 : i32 to index
    %get3A_164 = memref.load %arg1[%get3A_163] : memref<160xi32, #tpu.memory_space<smem>>
    %jit3A_165 = arith.constant 4 : i32
    %div3A_166 = arith.divsi %add3A_162, %jit3A_165 : i32
    %sign3A_167 = arith.constant 0 : i32
    %sign3A_168 = arith.cmpi sgt, %add3A_162, %sign3A_167 : i32
    %sign3A_169 = arith.extui %sign3A_168 : i1 to i32
    %sign3A_170 = arith.constant 0 : i32
    %sign3A_171 = arith.cmpi slt, %add3A_162, %sign3A_170 : i32
    %sign3A_172 = arith.extui %sign3A_171 : i1 to i32
    %sign3A_173 = arith.subi %sign3A_169, %sign3A_172 : i32
    %sign3A_174 = arith.constant 0 : i32
    %sign3A_175 = arith.cmpi sgt, %jit3A_165, %sign3A_174 : i32
    %sign3A_176 = arith.extui %sign3A_175 : i1 to i32
    %sign3A_177 = arith.constant 0 : i32
    %sign3A_178 = arith.cmpi slt, %jit3A_165, %sign3A_177 : i32
    %sign3A_179 = arith.extui %sign3A_178 : i1 to i32
    %sign3A_180 = arith.subi %sign3A_176, %sign3A_179 : i32
    %ne3A_181 = arith.cmpi ne, %sign3A_173, %sign3A_180 : i32
    %rem3A_182 = arith.remsi %add3A_162, %jit3A_165 : i32
    %ne3A_183 = arith.constant 0 : i32
    %ne3A_184 = arith.cmpi ne, %rem3A_182, %ne3A_183 : i32
    %and3A_185 = arith.andi %ne3A_181, %ne3A_184 : i1
    %sub3A_186 = arith.constant 1 : i32
    %sub3A_187 = arith.subi %div3A_166, %sub3A_186 : i32
    %select_n3A_188 = arith.select %and3A_185, %sub3A_187, %div3A_166 : i32
    %slice3A_189 = vector.extract_strided_slice %get3A_3 {offsets = [384, 0], sizes = [128, 64], strides = [1, 1]} : vector<1024x128xf32> to vector<128x64xf32>
    %lt3A_190 = vector.broadcast %get3A_164 : i32 to vector<128x64xi32>
    %lt3A_191 = arith.cmpi slt, %iota3A, %lt3A_190 : vector<128x64xi32>
    %select_n3A_192 = arith.select %lt3A_191, %slice3A_189, %convert_element_type3A_9 : vector<128x64xi1>, vector<128x64xf32>
    %slice3A_193 = vector.extract_strided_slice %select_n3A_192 {offsets = [0, 0], sizes = [128, 32], strides = [1, 1]} : vector<128x64xf32> to vector<128x32xf32>
    %slice3A_194 = vector.extract_strided_slice %select_n3A_192 {offsets = [0, 32], sizes = [128, 32], strides = [1, 1]} : vector<128x64xf32> to vector<128x32xf32>
    %get3A_195 = arith.index_cast %select_n3A_188 : i32 to index
    %get3A_196 = arith.constant 0 : index
    %get3A_197 = arith.constant 0 : index
    %get3A_198 = vector.load %arg3[%get3A_195, %get3A_196, %get3A_197] : memref<40x32x150xf32, #tpu.memory_space<vmem>>, vector<1x32x150xf32>
    %squeeze3A_199 = vector.shape_cast %get3A_198 : vector<1x32x150xf32> to vector<32x150xf32>
    %dot_general3A_200 = arith.constant dense<0.000000e+00> : vector<128x150xf32>
    %dot_general3A_201 = tpu.matmul %slice3A_193, %squeeze3A_199, %dot_general3A_200 {dimension_numbers = #tpu.dot_dimension_numbers<[1], [0], [0], [1], [0, 0, 1, 1], [], []>, transpose_lhs_hint = false} : vector<128x32xf32>, vector<32x150xf32>, vector<128x150xf32> -> vector<128x150xf32>
    %mul3A_202 = arith.mulf %squeeze3A_199, %squeeze3A_199 : vector<32x150xf32>
    %dot_general3A_203 = arith.constant dense<0.000000e+00> : vector<128x150xf32>
    %dot_general3A_204 = tpu.matmul %slice3A_194, %mul3A_202, %dot_general3A_203 {dimension_numbers = #tpu.dot_dimension_numbers<[1], [0], [0], [1], [0, 0, 1, 1], [], []>, transpose_lhs_hint = false} : vector<128x32xf32>, vector<32x150xf32>, vector<128x150xf32> -> vector<128x150xf32>
    %get3A_205 = arith.constant 0 : index
    %get3A_206 = arith.constant 0 : index
    %get3A_207 = vector.load %arg7[%get3A_205, %get3A_206] : memref<128x150xf32, #tpu.memory_space<vmem>>, vector<128x150xf32>
    %rsqrt3A_208 = math.rsqrt %dot_general3A_204 : vector<128x150xf32>
    %mul3A_209 = arith.mulf %dot_general3A_201, %rsqrt3A_208 : vector<128x150xf32>
    %add3A_210 = arith.addf %get3A_207, %mul3A_209 : vector<128x150xf32>
    %swap3A_211 = arith.constant 0 : index
    %swap3A_212 = arith.constant 0 : index
    %swap3A_213 = vector.load %arg7[%swap3A_211, %swap3A_212] : memref<128x150xf32, #tpu.memory_space<vmem>>, vector<128x150xf32>
    tpu.vector_store %arg7[%swap3A_211, %swap3A_212], %add3A_210 {strides = array<i32>} : memref<128x150xf32, #tpu.memory_space<vmem>>, vector<128x150xf32>,
    %mul3A_214 = arith.constant 8 : i32
    %mul3A_215 = arith.muli %arg0, %mul3A_214 : i32
    %add3A_216 = arith.constant 4 : i32
    %add3A_217 = arith.addi %mul3A_215, %add3A_216 : i32
    %get3A_218 = arith.index_cast %add3A_217 : i32 to index
    %get3A_219 = memref.load %arg1[%get3A_218] : memref<160xi32, #tpu.memory_space<smem>>
    %jit3A_220 = arith.constant 4 : i32
    %div3A_221 = arith.divsi %add3A_217, %jit3A_220 : i32
    %sign3A_222 = arith.constant 0 : i32
    %sign3A_223 = arith.cmpi sgt, %add3A_217, %sign3A_222 : i32
    %sign3A_224 = arith.extui %sign3A_223 : i1 to i32
    %sign3A_225 = arith.constant 0 : i32
    %sign3A_226 = arith.cmpi slt, %add3A_217, %sign3A_225 : i32
    %sign3A_227 = arith.extui %sign3A_226 : i1 to i32
    %sign3A_228 = arith.subi %sign3A_224, %sign3A_227 : i32
    %sign3A_229 = arith.constant 0 : i32
    %sign3A_230 = arith.cmpi sgt, %jit3A_220, %sign3A_229 : i32
    %sign3A_231 = arith.extui %sign3A_230 : i1 to i32
    %sign3A_232 = arith.constant 0 : i32
    %sign3A_233 = arith.cmpi slt, %jit3A_220, %sign3A_232 : i32
    %sign3A_234 = arith.extui %sign3A_233 : i1 to i32
    %sign3A_235 = arith.subi %sign3A_231, %sign3A_234 : i32
    %ne3A_236 = arith.cmpi ne, %sign3A_228, %sign3A_235 : i32
    %rem3A_237 = arith.remsi %add3A_217, %jit3A_220 : i32
    %ne3A_238 = arith.constant 0 : i32
    %ne3A_239 = arith.cmpi ne, %rem3A_237, %ne3A_238 : i32
    %and3A_240 = arith.andi %ne3A_236, %ne3A_239 : i1
    %sub3A_241 = arith.constant 1 : i32
    %sub3A_242 = arith.subi %div3A_221, %sub3A_241 : i32
    %select_n3A_243 = arith.select %and3A_240, %sub3A_242, %div3A_221 : i32
    %slice3A_244 = vector.extract_strided_slice %get3A_3 {offsets = [512, 0], sizes = [128, 64], strides = [1, 1]} : vector<1024x128xf32> to vector<128x64xf32>
    %lt3A_245 = vector.broadcast %get3A_219 : i32 to vector<128x64xi32>
    %lt3A_246 = arith.cmpi slt, %iota3A, %lt3A_245 : vector<128x64xi32>
    %select_n3A_247 = arith.select %lt3A_246, %slice3A_244, %convert_element_type3A_9 : vector<128x64xi1>, vector<128x64xf32>
    %slice3A_248 = vector.extract_strided_slice %select_n3A_247 {offsets = [0, 0], sizes = [128, 32], strides = [1, 1]} : vector<128x64xf32> to vector<128x32xf32>
    %slice3A_249 = vector.extract_strided_slice %select_n3A_247 {offsets = [0, 32], sizes = [128, 32], strides = [1, 1]} : vector<128x64xf32> to vector<128x32xf32>
    %get3A_250 = arith.index_cast %select_n3A_243 : i32 to index
    %get3A_251 = arith.constant 0 : index
    %get3A_252 = arith.constant 0 : index
    %get3A_253 = vector.load %arg3[%get3A_250, %get3A_251, %get3A_252] : memref<40x32x150xf32, #tpu.memory_space<vmem>>, vector<1x32x150xf32>
    %squeeze3A_254 = vector.shape_cast %get3A_253 : vector<1x32x150xf32> to vector<32x150xf32>
    %dot_general3A_255 = arith.constant dense<0.000000e+00> : vector<128x150xf32>
    %dot_general3A_256 = tpu.matmul %slice3A_248, %squeeze3A_254, %dot_general3A_255 {dimension_numbers = #tpu.dot_dimension_numbers<[1], [0], [0], [1], [0, 0, 1, 1], [], []>, transpose_lhs_hint = false} : vector<128x32xf32>, vector<32x150xf32>, vector<128x150xf32> -> vector<128x150xf32>
    %mul3A_257 = arith.mulf %squeeze3A_254, %squeeze3A_254 : vector<32x150xf32>
    %dot_general3A_258 = arith.constant dense<0.000000e+00> : vector<128x150xf32>
    %dot_general3A_259 = tpu.matmul %slice3A_249, %mul3A_257, %dot_general3A_258 {dimension_numbers = #tpu.dot_dimension_numbers<[1], [0], [0], [1], [0, 0, 1, 1], [], []>, transpose_lhs_hint = false} : vector<128x32xf32>, vector<32x150xf32>, vector<128x150xf32> -> vector<128x150xf32>
    %get3A_260 = arith.constant 0 : index
    %get3A_261 = arith.constant 0 : index
    %get3A_262 = vector.load %arg7[%get3A_260, %get3A_261] : memref<128x150xf32, #tpu.memory_space<vmem>>, vector<128x150xf32>
    %rsqrt3A_263 = math.rsqrt %dot_general3A_259 : vector<128x150xf32>
    %mul3A_264 = arith.mulf %dot_general3A_256, %rsqrt3A_263 : vector<128x150xf32>
    %add3A_265 = arith.addf %get3A_262, %mul3A_264 : vector<128x150xf32>
    %swap3A_266 = arith.constant 0 : index
    %swap3A_267 = arith.constant 0 : index
    %swap3A_268 = vector.load %arg7[%swap3A_266, %swap3A_267] : memref<128x150xf32, #tpu.memory_space<vmem>>, vector<128x150xf32>
    tpu.vector_store %arg7[%swap3A_266, %swap3A_267], %add3A_265 {strides = array<i32>} : memref<128x150xf32, #tpu.memory_space<vmem>>, vector<128x150xf32>,
    %mul3A_269 = arith.constant 8 : i32
    %mul3A_270 = arith.muli %arg0, %mul3A_269 : i32
    %add3A_271 = arith.constant 5 : i32
    %add3A_272 = arith.addi %mul3A_270, %add3A_271 : i32
    %get3A_273 = arith.index_cast %add3A_272 : i32 to index
    %get3A_274 = memref.load %arg1[%get3A_273] : memref<160xi32, #tpu.memory_space<smem>>
    %jit3A_275 = arith.constant 4 : i32
    %div3A_276 = arith.divsi %add3A_272, %jit3A_275 : i32
    %sign3A_277 = arith.constant 0 : i32
    %sign3A_278 = arith.cmpi sgt, %add3A_272, %sign3A_277 : i32
    %sign3A_279 = arith.extui %sign3A_278 : i1 to i32
    %sign3A_280 = arith.constant 0 : i32
    %sign3A_281 = arith.cmpi slt, %add3A_272, %sign3A_280 : i32
    %sign3A_282 = arith.extui %sign3A_281 : i1 to i32
    %sign3A_283 = arith.subi %sign3A_279, %sign3A_282 : i32
    %sign3A_284 = arith.constant 0 : i32
    %sign3A_285 = arith.cmpi sgt, %jit3A_275, %sign3A_284 : i32
    %sign3A_286 = arith.extui %sign3A_285 : i1 to i32
    %sign3A_287 = arith.constant 0 : i32
    %sign3A_288 = arith.cmpi slt, %jit3A_275, %sign3A_287 : i32
    %sign3A_289 = arith.extui %sign3A_288 : i1 to i32
    %sign3A_290 = arith.subi %sign3A_286, %sign3A_289 : i32
    %ne3A_291 = arith.cmpi ne, %sign3A_283, %sign3A_290 : i32
    %rem3A_292 = arith.remsi %add3A_272, %jit3A_275 : i32
    %ne3A_293 = arith.constant 0 : i32
    %ne3A_294 = arith.cmpi ne, %rem3A_292, %ne3A_293 : i32
    %and3A_295 = arith.andi %ne3A_291, %ne3A_294 : i1
    %sub3A_296 = arith.constant 1 : i32
    %sub3A_297 = arith.subi %div3A_276, %sub3A_296 : i32
    %select_n3A_298 = arith.select %and3A_295, %sub3A_297, %div3A_276 : i32
    %slice3A_299 = vector.extract_strided_slice %get3A_3 {offsets = [640, 0], sizes = [128, 64], strides = [1, 1]} : vector<1024x128xf32> to vector<128x64xf32>
    %lt3A_300 = vector.broadcast %get3A_274 : i32 to vector<128x64xi32>
    %lt3A_301 = arith.cmpi slt, %iota3A, %lt3A_300 : vector<128x64xi32>
    %select_n3A_302 = arith.select %lt3A_301, %slice3A_299, %convert_element_type3A_9 : vector<128x64xi1>, vector<128x64xf32>
    %slice3A_303 = vector.extract_strided_slice %select_n3A_302 {offsets = [0, 0], sizes = [128, 32], strides = [1, 1]} : vector<128x64xf32> to vector<128x32xf32>
    %slice3A_304 = vector.extract_strided_slice %select_n3A_302 {offsets = [0, 32], sizes = [128, 32], strides = [1, 1]} : vector<128x64xf32> to vector<128x32xf32>
    %get3A_305 = arith.index_cast %select_n3A_298 : i32 to index
    %get3A_306 = arith.constant 0 : index
    %get3A_307 = arith.constant 0 : index
    %get3A_308 = vector.load %arg3[%get3A_305, %get3A_306, %get3A_307] : memref<40x32x150xf32, #tpu.memory_space<vmem>>, vector<1x32x150xf32>
    %squeeze3A_309 = vector.shape_cast %get3A_308 : vector<1x32x150xf32> to vector<32x150xf32>
    %dot_general3A_310 = arith.constant dense<0.000000e+00> : vector<128x150xf32>
    %dot_general3A_311 = tpu.matmul %slice3A_303, %squeeze3A_309, %dot_general3A_310 {dimension_numbers = #tpu.dot_dimension_numbers<[1], [0], [0], [1], [0, 0, 1, 1], [], []>, transpose_lhs_hint = false} : vector<128x32xf32>, vector<32x150xf32>, vector<128x150xf32> -> vector<128x150xf32>
    %mul3A_312 = arith.mulf %squeeze3A_309, %squeeze3A_309 : vector<32x150xf32>
    %dot_general3A_313 = arith.constant dense<0.000000e+00> : vector<128x150xf32>
    %dot_general3A_314 = tpu.matmul %slice3A_304, %mul3A_312, %dot_general3A_313 {dimension_numbers = #tpu.dot_dimension_numbers<[1], [0], [0], [1], [0, 0, 1, 1], [], []>, transpose_lhs_hint = false} : vector<128x32xf32>, vector<32x150xf32>, vector<128x150xf32> -> vector<128x150xf32>
    %get3A_315 = arith.constant 0 : index
    %get3A_316 = arith.constant 0 : index
    %get3A_317 = vector.load %arg7[%get3A_315, %get3A_316] : memref<128x150xf32, #tpu.memory_space<vmem>>, vector<128x150xf32>
    %rsqrt3A_318 = math.rsqrt %dot_general3A_314 : vector<128x150xf32>
    %mul3A_319 = arith.mulf %dot_general3A_311, %rsqrt3A_318 : vector<128x150xf32>
    %add3A_320 = arith.addf %get3A_317, %mul3A_319 : vector<128x150xf32>
    %swap3A_321 = arith.constant 0 : index
    %swap3A_322 = arith.constant 0 : index
    %swap3A_323 = vector.load %arg7[%swap3A_321, %swap3A_322] : memref<128x150xf32, #tpu.memory_space<vmem>>, vector<128x150xf32>
    tpu.vector_store %arg7[%swap3A_321, %swap3A_322], %add3A_320 {strides = array<i32>} : memref<128x150xf32, #tpu.memory_space<vmem>>, vector<128x150xf32>,
    %mul3A_324 = arith.constant 8 : i32
    %mul3A_325 = arith.muli %arg0, %mul3A_324 : i32
    %add3A_326 = arith.constant 6 : i32
    %add3A_327 = arith.addi %mul3A_325, %add3A_326 : i32
    %get3A_328 = arith.index_cast %add3A_327 : i32 to index
    %get3A_329 = memref.load %arg1[%get3A_328] : memref<160xi32, #tpu.memory_space<smem>>
    %jit3A_330 = arith.constant 4 : i32
    %div3A_331 = arith.divsi %add3A_327, %jit3A_330 : i32
    %sign3A_332 = arith.constant 0 : i32
    %sign3A_333 = arith.cmpi sgt, %add3A_327, %sign3A_332 : i32
    %sign3A_334 = arith.extui %sign3A_333 : i1 to i32
    %sign3A_335 = arith.constant 0 : i32
    %sign3A_336 = arith.cmpi slt, %add3A_327, %sign3A_335 : i32
    %sign3A_337 = arith.extui %sign3A_336 : i1 to i32
    %sign3A_338 = arith.subi %sign3A_334, %sign3A_337 : i32
    %sign3A_339 = arith.constant 0 : i32
    %sign3A_340 = arith.cmpi sgt, %jit3A_330, %sign3A_339 : i32
    %sign3A_341 = arith.extui %sign3A_340 : i1 to i32
    %sign3A_342 = arith.constant 0 : i32
    %sign3A_343 = arith.cmpi slt, %jit3A_330, %sign3A_342 : i32
    %sign3A_344 = arith.extui %sign3A_343 : i1 to i32
    %sign3A_345 = arith.subi %sign3A_341, %sign3A_344 : i32
    %ne3A_346 = arith.cmpi ne, %sign3A_338, %sign3A_345 : i32
    %rem3A_347 = arith.remsi %add3A_327, %jit3A_330 : i32
    %ne3A_348 = arith.constant 0 : i32
    %ne3A_349 = arith.cmpi ne, %rem3A_347, %ne3A_348 : i32
    %and3A_350 = arith.andi %ne3A_346, %ne3A_349 : i1
    %sub3A_351 = arith.constant 1 : i32
    %sub3A_352 = arith.subi %div3A_331, %sub3A_351 : i32
    %select_n3A_353 = arith.select %and3A_350, %sub3A_352, %div3A_331 : i32
    %slice3A_354 = vector.extract_strided_slice %get3A_3 {offsets = [768, 0], sizes = [128, 64], strides = [1, 1]} : vector<1024x128xf32> to vector<128x64xf32>
    %lt3A_355 = vector.broadcast %get3A_329 : i32 to vector<128x64xi32>
    %lt3A_356 = arith.cmpi slt, %iota3A, %lt3A_355 : vector<128x64xi32>
    %select_n3A_357 = arith.select %lt3A_356, %slice3A_354, %convert_element_type3A_9 : vector<128x64xi1>, vector<128x64xf32>
    %slice3A_358 = vector.extract_strided_slice %select_n3A_357 {offsets = [0, 0], sizes = [128, 32], strides = [1, 1]} : vector<128x64xf32> to vector<128x32xf32>
    %slice3A_359 = vector.extract_strided_slice %select_n3A_357 {offsets = [0, 32], sizes = [128, 32], strides = [1, 1]} : vector<128x64xf32> to vector<128x32xf32>
    %get3A_360 = arith.index_cast %select_n3A_353 : i32 to index
    %get3A_361 = arith.constant 0 : index
    %get3A_362 = arith.constant 0 : index
    %get3A_363 = vector.load %arg3[%get3A_360, %get3A_361, %get3A_362] : memref<40x32x150xf32, #tpu.memory_space<vmem>>, vector<1x32x150xf32>
    %squeeze3A_364 = vector.shape_cast %get3A_363 : vector<1x32x150xf32> to vector<32x150xf32>
    %dot_general3A_365 = arith.constant dense<0.000000e+00> : vector<128x150xf32>
    %dot_general3A_366 = tpu.matmul %slice3A_358, %squeeze3A_364, %dot_general3A_365 {dimension_numbers = #tpu.dot_dimension_numbers<[1], [0], [0], [1], [0, 0, 1, 1], [], []>, transpose_lhs_hint = false} : vector<128x32xf32>, vector<32x150xf32>, vector<128x150xf32> -> vector<128x150xf32>
    %mul3A_367 = arith.mulf %squeeze3A_364, %squeeze3A_364 : vector<32x150xf32>
    %dot_general3A_368 = arith.constant dense<0.000000e+00> : vector<128x150xf32>
    %dot_general3A_369 = tpu.matmul %slice3A_359, %mul3A_367, %dot_general3A_368 {dimension_numbers = #tpu.dot_dimension_numbers<[1], [0], [0], [1], [0, 0, 1, 1], [], []>, transpose_lhs_hint = false} : vector<128x32xf32>, vector<32x150xf32>, vector<128x150xf32> -> vector<128x150xf32>
    %get3A_370 = arith.constant 0 : index
    %get3A_371 = arith.constant 0 : index
    %get3A_372 = vector.load %arg7[%get3A_370, %get3A_371] : memref<128x150xf32, #tpu.memory_space<vmem>>, vector<128x150xf32>
    %rsqrt3A_373 = math.rsqrt %dot_general3A_369 : vector<128x150xf32>
    %mul3A_374 = arith.mulf %dot_general3A_366, %rsqrt3A_373 : vector<128x150xf32>
    %add3A_375 = arith.addf %get3A_372, %mul3A_374 : vector<128x150xf32>
    %swap3A_376 = arith.constant 0 : index
    %swap3A_377 = arith.constant 0 : index
    %swap3A_378 = vector.load %arg7[%swap3A_376, %swap3A_377] : memref<128x150xf32, #tpu.memory_space<vmem>>, vector<128x150xf32>
    tpu.vector_store %arg7[%swap3A_376, %swap3A_377], %add3A_375 {strides = array<i32>} : memref<128x150xf32, #tpu.memory_space<vmem>>, vector<128x150xf32>,
    %mul3A_379 = arith.constant 8 : i32
    %mul3A_380 = arith.muli %arg0, %mul3A_379 : i32
    %add3A_381 = arith.constant 7 : i32
    %add3A_382 = arith.addi %mul3A_380, %add3A_381 : i32
    %get3A_383 = arith.index_cast %add3A_382 : i32 to index
    %get3A_384 = memref.load %arg1[%get3A_383] : memref<160xi32, #tpu.memory_space<smem>>
    %jit3A_385 = arith.constant 4 : i32
    %div3A_386 = arith.divsi %add3A_382, %jit3A_385 : i32
    %sign3A_387 = arith.constant 0 : i32
    %sign3A_388 = arith.cmpi sgt, %add3A_382, %sign3A_387 : i32
    %sign3A_389 = arith.extui %sign3A_388 : i1 to i32
    %sign3A_390 = arith.constant 0 : i32
    %sign3A_391 = arith.cmpi slt, %add3A_382, %sign3A_390 : i32
    %sign3A_392 = arith.extui %sign3A_391 : i1 to i32
    %sign3A_393 = arith.subi %sign3A_389, %sign3A_392 : i32
    %sign3A_394 = arith.constant 0 : i32
    %sign3A_395 = arith.cmpi sgt, %jit3A_385, %sign3A_394 : i32
    %sign3A_396 = arith.extui %sign3A_395 : i1 to i32
    %sign3A_397 = arith.constant 0 : i32
    %sign3A_398 = arith.cmpi slt, %jit3A_385, %sign3A_397 : i32
    %sign3A_399 = arith.extui %sign3A_398 : i1 to i32
    %sign3A_400 = arith.subi %sign3A_396, %sign3A_399 : i32
    %ne3A_401 = arith.cmpi ne, %sign3A_393, %sign3A_400 : i32
    %rem3A_402 = arith.remsi %add3A_382, %jit3A_385 : i32
    %ne3A_403 = arith.constant 0 : i32
    %ne3A_404 = arith.cmpi ne, %rem3A_402, %ne3A_403 : i32
    %and3A_405 = arith.andi %ne3A_401, %ne3A_404 : i1
    %sub3A_406 = arith.constant 1 : i32
    %sub3A_407 = arith.subi %div3A_386, %sub3A_406 : i32
    %select_n3A_408 = arith.select %and3A_405, %sub3A_407, %div3A_386 : i32
    %slice3A_409 = vector.extract_strided_slice %get3A_3 {offsets = [896, 0], sizes = [128, 64], strides = [1, 1]} : vector<1024x128xf32> to vector<128x64xf32>
    %lt3A_410 = vector.broadcast %get3A_384 : i32 to vector<128x64xi32>
    %lt3A_411 = arith.cmpi slt, %iota3A, %lt3A_410 : vector<128x64xi32>
    %select_n3A_412 = arith.select %lt3A_411, %slice3A_409, %convert_element_type3A_9 : vector<128x64xi1>, vector<128x64xf32>
    %slice3A_413 = vector.extract_strided_slice %select_n3A_412 {offsets = [0, 0], sizes = [128, 32], strides = [1, 1]} : vector<128x64xf32> to vector<128x32xf32>
    %slice3A_414 = vector.extract_strided_slice %select_n3A_412 {offsets = [0, 32], sizes = [128, 32], strides = [1, 1]} : vector<128x64xf32> to vector<128x32xf32>
    %get3A_415 = arith.index_cast %select_n3A_408 : i32 to index
    %get3A_416 = arith.constant 0 : index
    %get3A_417 = arith.constant 0 : index
    %get3A_418 = vector.load %arg3[%get3A_415, %get3A_416, %get3A_417] : memref<40x32x150xf32, #tpu.memory_space<vmem>>, vector<1x32x150xf32>
    %squeeze3A_419 = vector.shape_cast %get3A_418 : vector<1x32x150xf32> to vector<32x150xf32>
    %dot_general3A_420 = arith.constant dense<0.000000e+00> : vector<128x150xf32>
    %dot_general3A_421 = tpu.matmul %slice3A_413, %squeeze3A_419, %dot_general3A_420 {dimension_numbers = #tpu.dot_dimension_numbers<[1], [0], [0], [1], [0, 0, 1, 1], [], []>, transpose_lhs_hint = false} : vector<128x32xf32>, vector<32x150xf32>, vector<128x150xf32> -> vector<128x150xf32>
    %mul3A_422 = arith.mulf %squeeze3A_419, %squeeze3A_419 : vector<32x150xf32>
    %dot_general3A_423 = arith.constant dense<0.000000e+00> : vector<128x150xf32>
    %dot_general3A_424 = tpu.matmul %slice3A_414, %mul3A_422, %dot_general3A_423 {dimension_numbers = #tpu.dot_dimension_numbers<[1], [0], [0], [1], [0, 0, 1, 1], [], []>, transpose_lhs_hint = false} : vector<128x32xf32>, vector<32x150xf32>, vector<128x150xf32> -> vector<128x150xf32>
    %get3A_425 = arith.constant 0 : index
    %get3A_426 = arith.constant 0 : index
    %get3A_427 = vector.load %arg7[%get3A_425, %get3A_426] : memref<128x150xf32, #tpu.memory_space<vmem>>, vector<128x150xf32>
    %rsqrt3A_428 = math.rsqrt %dot_general3A_424 : vector<128x150xf32>
    %mul3A_429 = arith.mulf %dot_general3A_421, %rsqrt3A_428 : vector<128x150xf32>
    %add3A_430 = arith.addf %get3A_427, %mul3A_429 : vector<128x150xf32>
    %swap3A_431 = arith.constant 0 : index
    %swap3A_432 = arith.constant 0 : index
    %swap3A_433 = vector.load %arg7[%swap3A_431, %swap3A_432] : memref<128x150xf32, #tpu.memory_space<vmem>>, vector<128x150xf32>
    tpu.vector_store %arg7[%swap3A_431, %swap3A_432], %add3A_430 {strides = array<i32>} : memref<128x150xf32, #tpu.memory_space<vmem>>, vector<128x150xf32>,
    %eq3A_434 = arith.constant 19 : i32
    %eq3A_435 = arith.cmpi eq, %arg0, %eq3A_434 : i32
    %convert_element_type3A_436 = arith.extui %eq3A_435 : i1 to i32
    %cond3A_437 = arith.constant 0 : i32
    %cond3A_438 = arith.cmpi ne, %convert_element_type3A_436, %cond3A_437 : i32
    scf.if %cond3A_438 {
      %get3A_439 = arith.constant 0 : index
      %get3A_440 = arith.constant 0 : index
      %get3A_441 = vector.load %arg7[%get3A_439, %get3A_440] : memref<128x150xf32, #tpu.memory_space<vmem>>, vector<128x150xf32>
      %reduce_sum3A = arith.constant dense<0.000000e+00> : vector<150xf32>
      %reduce_sum3A_442 = vector.multi_reduction <add>, %get3A_441, %reduce_sum3A [0] : vector<128x150xf32> to vector<150xf32>
      %broadcast_in_dim3A = vector.shape_cast %reduce_sum3A_442 : vector<150xf32> to vector<1x150xf32>
      %get3A_443 = arith.constant 0 : index
      %get3A_444 = arith.constant 0 : index
      %get3A_445 = memref.load %arg5[%get3A_443, %get3A_444] : memref<1x1xf32, #tpu.memory_space<smem>>
      %add3A_446 = arith.constant 9.216000e+03 : f32
      %add3A_447 = arith.addf %get3A_445, %add3A_446 : f32
      %mul3A_448 = arith.constant 2.000000e+00 : f32
      %mul3A_449 = vector.broadcast %mul3A_448 : f32 to vector<1x150xf32>
      %mul3A_450 = arith.mulf %mul3A_449, %broadcast_in_dim3A : vector<1x150xf32>
      %sub3A_451 = vector.broadcast %add3A_447 : f32 to vector<1x150xf32>
      %sub3A_452 = arith.subf %sub3A_451, %mul3A_450 : vector<1x150xf32>
      %max3A = arith.constant 0.000000e+00 : f32
      %max3A_453 = vector.broadcast %max3A : f32 to vector<1x150xf32>
      %max3A_454 = arith.maximumf %sub3A_452, %max3A_453 : vector<1x150xf32>
      %sqrt3A = math.sqrt %max3A_454 : vector<1x150xf32>
      %reduce_sum3A_455 = vector.shape_cast %sqrt3A : vector<1x150xf32> to vector<1x1x150xf32>
      %reduce_sum3A_456 = arith.constant dense<0.000000e+00> : vector<1xf32>
      %reduce_sum3A_457 = vector.multi_reduction <add>, %reduce_sum3A_455, %reduce_sum3A_456 [1, 2] : vector<1x1x150xf32> to vector<1xf32>
      %reduce_sum3A_458 = vector.shape_cast %reduce_sum3A_457 : vector<1xf32> to vector<1x1x1xf32>
      %reduce_sum3A_459 = vector.extract %reduce_sum3A_458[0, 0, 0] : f32 from vector<1x1x1xf32>
      %get3A_460 = arith.constant 0 : index
      %get3A_461 = arith.constant 0 : index
      %get3A_462 = vector.load %arg4[%get3A_460, %get3A_461] : memref<96x96xf32, #tpu.memory_space<vmem>>, vector<96x96xf32>
      %mul3A_463 = arith.constant 1.400000e+00 : f32
      %mul3A_464 = vector.broadcast %mul3A_463 : f32 to vector<96x96xf32>
      %mul3A_465 = arith.mulf %mul3A_464, %get3A_462 : vector<96x96xf32>
      %add3A_466 = arith.constant 2.000000e-01 : f32
      %add3A_467 = vector.broadcast %add3A_466 : f32 to vector<96x96xf32>
      %add3A_468 = arith.addf %add3A_467, %mul3A_465 : vector<96x96xf32>
      %slice3A_469 = vector.extract_strided_slice %add3A_468 {offsets = [2, 0], sizes = [94, 96], strides = [1, 1]} : vector<96x96xf32> to vector<94x96xf32>
      %slice3A_470 = vector.extract_strided_slice %add3A_468 {offsets = [0, 0], sizes = [94, 96], strides = [1, 1]} : vector<96x96xf32> to vector<94x96xf32>
      %sub3A_471 = arith.subf %slice3A_469, %slice3A_470 : vector<94x96xf32>
      %mul3A_472 = arith.constant 5.000000e-01 : f32
      %mul3A_473 = vector.broadcast %mul3A_472 : f32 to vector<94x96xf32>
      %mul3A_474 = arith.mulf %sub3A_471, %mul3A_473 : vector<94x96xf32>
      %slice3A_475 = vector.extract_strided_slice %add3A_468 {offsets = [1, 0], sizes = [1, 96], strides = [1, 1]} : vector<96x96xf32> to vector<1x96xf32>
      %squeeze3A_476 = vector.shape_cast %slice3A_475 : vector<1x96xf32> to vector<96xf32>
      %slice3A_477 = vector.extract_strided_slice %add3A_468 {offsets = [0, 0], sizes = [1, 96], strides = [1, 1]} : vector<96x96xf32> to vector<1x96xf32>
      %squeeze3A_478 = vector.shape_cast %slice3A_477 : vector<1x96xf32> to vector<96xf32>
      %sub3A_479 = arith.subf %squeeze3A_476, %squeeze3A_478 : vector<96xf32>
      %abs3A = math.absf %sub3A_479 : vector<96xf32>
      %slice3A_480 = vector.extract_strided_slice %add3A_468 {offsets = [95, 0], sizes = [1, 96], strides = [1, 1]} : vector<96x96xf32> to vector<1x96xf32>
      %squeeze3A_481 = vector.shape_cast %slice3A_480 : vector<1x96xf32> to vector<96xf32>
      %slice3A_482 = vector.extract_strided_slice %add3A_468 {offsets = [94, 0], sizes = [1, 96], strides = [1, 1]} : vector<96x96xf32> to vector<1x96xf32>
      %squeeze3A_483 = vector.shape_cast %slice3A_482 : vector<1x96xf32> to vector<96xf32>
      %sub3A_484 = arith.subf %squeeze3A_481, %squeeze3A_483 : vector<96xf32>
      %abs3A_485 = math.absf %sub3A_484 : vector<96xf32>
      %add3A_486 = arith.addf %abs3A, %abs3A_485 : vector<96xf32>
      %slice3A_487 = vector.extract_strided_slice %add3A_468 {offsets = [0, 2], sizes = [96, 94], strides = [1, 1]} : vector<96x96xf32> to vector<96x94xf32>
      %slice3A_488 = vector.extract_strided_slice %add3A_468 {offsets = [0, 0], sizes = [96, 94], strides = [1, 1]} : vector<96x96xf32> to vector<96x94xf32>
      %sub3A_489 = arith.subf %slice3A_487, %slice3A_488 : vector<96x94xf32>
      %mul3A_490 = arith.constant 5.000000e-01 : f32
      %mul3A_491 = vector.broadcast %mul3A_490 : f32 to vector<96x94xf32>
      %mul3A_492 = arith.mulf %sub3A_489, %mul3A_491 : vector<96x94xf32>
      %slice3A_493 = vector.extract_strided_slice %add3A_468 {offsets = [0, 1], sizes = [96, 1], strides = [1, 1]} : vector<96x96xf32> to vector<96x1xf32>
      %squeeze3A_494 = vector.shape_cast %slice3A_493 : vector<96x1xf32> to vector<96xf32>
      %slice3A_495 = vector.extract_strided_slice %add3A_468 {offsets = [0, 0], sizes = [96, 1], strides = [1, 1]} : vector<96x96xf32> to vector<96x1xf32>
      %squeeze3A_496 = vector.shape_cast %slice3A_495 : vector<96x1xf32> to vector<96xf32>
      %sub3A_497 = arith.subf %squeeze3A_494, %squeeze3A_496 : vector<96xf32>
      %abs3A_498 = math.absf %sub3A_497 : vector<96xf32>
      %slice3A_499 = vector.extract_strided_slice %add3A_468 {offsets = [0, 95], sizes = [96, 1], strides = [1, 1]} : vector<96x96xf32> to vector<96x1xf32>
      %squeeze3A_500 = vector.shape_cast %slice3A_499 : vector<96x1xf32> to vector<96xf32>
      %slice3A_501 = vector.extract_strided_slice %add3A_468 {offsets = [0, 94], sizes = [96, 1], strides = [1, 1]} : vector<96x96xf32> to vector<96x1xf32>
      %squeeze3A_502 = vector.shape_cast %slice3A_501 : vector<96x1xf32> to vector<96xf32>
      %sub3A_503 = arith.subf %squeeze3A_500, %squeeze3A_502 : vector<96xf32>
      %abs3A_504 = math.absf %sub3A_503 : vector<96xf32>
      %add3A_505 = arith.addf %abs3A_498, %abs3A_504 : vector<96xf32>
      %abs3A_506 = math.absf %mul3A_474 : vector<94x96xf32>
      %reduce_sum3A_507 = vector.shape_cast %abs3A_506 : vector<94x96xf32> to vector<1x94x96xf32>
      %reduce_sum3A_508 = arith.constant dense<0.000000e+00> : vector<1xf32>
      %reduce_sum3A_509 = vector.multi_reduction <add>, %reduce_sum3A_507, %reduce_sum3A_508 [1, 2] : vector<1x94x96xf32> to vector<1xf32>
      %reduce_sum3A_510 = vector.shape_cast %reduce_sum3A_509 : vector<1xf32> to vector<1x1x1xf32>
      %reduce_sum3A_511 = vector.extract %reduce_sum3A_510[0, 0, 0] : f32 from vector<1x1x1xf32>
      %reduce_sum3A_512 = vector.shape_cast %add3A_486 : vector<96xf32> to vector<1x96xf32>
      %reduce_sum3A_513 = arith.constant dense<0.000000e+00> : vector<1xf32>
      %reduce_sum3A_514 = vector.multi_reduction <add>, %reduce_sum3A_512, %reduce_sum3A_513 [1] : vector<1x96xf32> to vector<1xf32>
      %reduce_sum3A_515 = vector.shape_cast %reduce_sum3A_514 : vector<1xf32> to vector<1x1xf32>
      %reduce_sum3A_516 = vector.extract %reduce_sum3A_515[0, 0] : f32 from vector<1x1xf32>
      %add3A_517 = arith.addf %reduce_sum3A_511, %reduce_sum3A_516 : f32
      %abs3A_518 = math.absf %mul3A_492 : vector<96x94xf32>
      %reduce_sum3A_519 = vector.shape_cast %abs3A_518 : vector<96x94xf32> to vector<1x96x94xf32>
      %reduce_sum3A_520 = arith.constant dense<0.000000e+00> : vector<1xf32>
      %reduce_sum3A_521 = vector.multi_reduction <add>, %reduce_sum3A_519, %reduce_sum3A_520 [1, 2] : vector<1x96x94xf32> to vector<1xf32>
      %reduce_sum3A_522 = vector.shape_cast %reduce_sum3A_521 : vector<1xf32> to vector<1x1x1xf32>
      %reduce_sum3A_523 = vector.extract %reduce_sum3A_522[0, 0, 0] : f32 from vector<1x1x1xf32>
      %add3A_524 = arith.addf %add3A_517, %reduce_sum3A_523 : f32
      %reduce_sum3A_525 = vector.shape_cast %add3A_505 : vector<96xf32> to vector<1x96xf32>
      %reduce_sum3A_526 = arith.constant dense<0.000000e+00> : vector<1xf32>
      %reduce_sum3A_527 = vector.multi_reduction <add>, %reduce_sum3A_525, %reduce_sum3A_526 [1] : vector<1x96xf32> to vector<1xf32>
      %reduce_sum3A_528 = vector.shape_cast %reduce_sum3A_527 : vector<1xf32> to vector<1x1xf32>
      %reduce_sum3A_529 = vector.extract %reduce_sum3A_528[0, 0] : f32 from vector<1x1xf32>
      %add3A_530 = arith.addf %add3A_524, %reduce_sum3A_529 : f32
      %add3A_531 = arith.addf %reduce_sum3A_459, %add3A_530 : f32
      %swap3A_532 = arith.constant 0 : index
      %swap3A_533 = arith.constant 0 : index
      %swap3A_534 = memref.load %arg6[%swap3A_532, %swap3A_533] : memref<1x1xf32, #tpu.memory_space<smem>>
      memref.store %add3A_531, %arg6[%swap3A_532, %swap3A_533] : memref<1x1xf32, #tpu.memory_space<smem>>
    } else {
    }
    return
  }
  func.func @transform_0(%arg0: i32) -> i32 {
    %c0_i32 = arith.constant 0 : i32
    %c0_i32_0 = arith.constant 0 : i32
    return %c0_i32 : i32
  }
  func.func @transform_1(%arg0: i32) -> (i32, i32) {
    %c0_i32 = arith.constant 0 : i32
    %c0_i32_0 = arith.constant 0 : i32
    return %arg0, %c0_i32 : i32, i32
  }
  func.func @transform_2(%arg0: i32) -> (i32, i32, i32) {
    %c0_i32 = arith.constant 0 : i32
    %c0_i32_0 = arith.constant 0 : i32
    %c0_i32_1 = arith.constant 0 : i32
    %c0_i32_2 = arith.constant 0 : i32
    return %c0_i32, %c0_i32_0, %c0_i32_1 : i32, i32, i32
  }
  func.func @transform_3(%arg0: i32) -> (i32, i32) {
    %c0_i32 = arith.constant 0 : i32
    %c0_i32_0 = arith.constant 0 : i32
    %c0_i32_1 = arith.constant 0 : i32
    return %c0_i32, %c0_i32_0 : i32, i32
  }
  func.func @transform_4(%arg0: i32) -> (i32, i32) {
    %c0_i32 = arith.constant 0 : i32
    %c0_i32_0 = arith.constant 0 : i32
    %c0_i32_1 = arith.constant 0 : i32
    return %c0_i32, %c0_i32_0 : i32, i32
  }
  func.func @transform_5(%arg0: i32) -> (i32, i32) {
    %c0_i32 = arith.constant 0 : i32
    %c0_i32_0 = arith.constant 0 : i32
    %c0_i32_1 = arith.constant 0 : i32
    return %c0_i32, %c0_i32_0 : i32, i32
  }
}

</mosaic_0001>

<sc_bundles>
// kernel: kernel.5.cloned.1.call-start
scs
__scs_entry_jumppad:
0x0: {  	(pc) =	sbr.rel $0x88, $3  }
0x1: {  	(tag) =	ssettag $0x0;
	lr =	simm.s32 $0x1  }
0x2: {  	[smem:$0x3F9D] =	sst lr;
	_ =	strace $0xD0000000  }
0x3: {  	_ = 	snop  }
0x4: {  	_ = 	snop  }
0x5: {  	_ = 	snop  }
0x6: {  	_ = 	snop  }
0x7: {  	_ = 	snop  }
__scs_overlays_trampoline_lowered:
0x8: {  	[smem:$0x3FAC] =	sst s0  }
0x9: {  	[smem:$0x3FAD] =	sst s1  }
0xa: {  	[smem:$0x3FAE] =	sst s2  }
0xb: {  	[smem:$0x3FAF] =	sst s3  }
0xc: {  	[smem:$0x3FB0] =	sst s4  }
0xd: {  	[smem:$0x3FB1] =	sst s5  }
0xe: {  	[smem:$0x3FB2] =	sst s6  }
0xf: {  	[smem:$0x3FB3] =	sst s7  }
0x10: {  	[smem:$0x3FB4] =	sst s8  }
0x11: {  	[smem:$0x3FB5] =	sst s9;
	s0 =	simm.s32 @!p0 $0x0  }
0x12: {  	s1 =	sld [smem:$0x3F9B];
	s0 =	simm.s32 @p0 $0x1  }
0x13: {  	[smem:$0x3FB6] =	sst s0;
	s0 =	simm.s32 @!p1 $0x0  }
0x14: {  	s2 =	sld [smem:$0x3F9A];
	s0 =	simm.s32 @p1 $0x1  }
0x15: {  	[smem:$0x3FB7] =	sst s0;
	s0 =	simm.s32 @!p2 $0x0  }
0x16: {  	s3 =	sld [smem:$0x3FDB];
	s0 =	simm.s32 @p2 $0x1  }
0x17: {  	s4 =	simm.s32 $0x1BF5;
	[smem:$0x3FB9] =	sst s0  }
0x18: {  	s0 =	sld [smem:$0x3F9C];
	_ =	swait.ge [sflag:s4], $0x0  }
0x19: {  	s7 =	sld [smem:$0x3F9D]  }
0x1a: {  	s8 =	sadd.s32 $0xFFFFE003, lr  }
0x1b: {  	s9 =	sadd.s32 $0xFFFFFEF7, lr;
	s5 =	simm.s32 $0xFFFFFFFF;
	p2 =	slt.u32 s8, $0xFFFFF086  }
0x1c: {  	p1 =	slt.u32 s9, $0xF7A;
	s5 =	simm.s32 @!p2 $0x0  }
0x1d: {  	s5 =	simm.s32 @p1 $0x1;
	p0 =	seq.s32 s7, s2  }
0x1e: {  	s7 =	smul.u32 @!p0 $0xF7A, s2;
	p2 =	seq.s32 @!p0 s5, $0x0  }
0x1f: {  	s9 =	smul.u32 $0xF7A, s1;
	s8 =	simm.s32 @!p0 $0x1BF5;
	p2 =	por !p2, p0  }
0x20: {  	[sflag:s8] =	ssyncset.s32 @!p0 $0xFFFFF086;
	s6 =	sadd.s32 @!p0 s3, s7;
	s7 =	simm.s32 @!p0 $0x108  }
0x21: {  	s3 =	sadd.s32 s3, s9;
	s6 =	sadd.s32 @!p0 $0x88, s6;
	s7 =	simm.s32 @p2 $0x1082  }
0x22: {  	[simem:s7], [sflag:s8] =	dma.local @!p0 [hbm:s6], $0xF7A  }
0x23: {  	s9 =	sor.u32 $0xD0000000, s2;
	s6 =	simm.s32 $0x108;
	_ =	swait.ge @!p0 [sflag:s8], $0x0  }
0x24: {  	s3 =	sadd.s32 $0x88, s3;
	s6 =	simm.s32 @!p1 $0x1082;
	[sflag:s4] =	ssyncset.s32 $0xFFFFF086  }
0x25: {  	[simem:s6], [sflag:s4] =	dma.local [hbm:s3], $0xF7A  }
0x26: {  	[smem:$0x3F9D] =	sst s1;
	(tag) =	ssettag s2;
	_ =	strace s9  }
0x27: {  	s1 =	sld [smem:$0x3FAD]  }
0x28: {  	s2 =	sld [smem:$0x3FAE]  }
0x29: {  	s4 =	sld [smem:$0x3FB0]  }
0x2a: {  	p0 =	seq.s32 s5, $0x0;
	s5 =	sld [smem:$0x3FB1]  }
0x2b: {  	s6 =	sld [smem:$0x3FB2]  }
0x2c: {  	s7 =	sld [smem:$0x3FB3]  }
0x2d: {  	s3 =	simm.s32 $0x108;
	s8 =	sld [smem:$0x3FB4]  }
0x2e: {  	s3 =	simm.s32 @!p0 $0x1082;
	s9 =	sld [smem:$0x3FB5]  }
0x2f: {  	lr =	sadd.s32 s0, s3;
	s0 =	sld [smem:$0x3FAC]  }
0x30: {  	s3 =	sld [smem:$0x3FAF]  }
0x31: {  	[smem:$0x3FB8] =	sst s10  }
0x32: {  	s10 =	sld [smem:$0x3FB6];
	_ =	sdelay $0x3  }
0x33: {  	p0 =	seq.s32 s10, $0x1;
	s10 =	sld [smem:$0x3FB8];
	_ =	sdelay $0x3  }
0x34: {  	[smem:$0x3FB8] =	sst s10  }
0x35: {  	s10 =	sld [smem:$0x3FB7];
	_ =	sdelay $0x3  }
0x36: {  	p1 =	seq.s32 s10, $0x1;
	s10 =	sld [smem:$0x3FB8];
	_ =	sdelay $0x3  }
0x37: {  	[smem:$0x3FB8] =	sst s10  }
0x38: {  	s10 =	sld [smem:$0x3FB9]  }
0x39: {  	_ = 	snop;
	(pc) =	sbr.ind lr, $3  }
0x3a: {  	_ = 	snop  }
0x3b: {  	_ = 	snop  }
0x3c: {  	p2 =	seq.s32 s10, $0x1;
	s10 =	sld [smem:$0x3FB8]  }
0x3d: {  	_ =	shalt  }
0x3e: {  	_ =	shalt  }
0x3f: {  	_ =	shalt  }
0x40: {  	_ =	shalt  }
0x41: {  	_ =	shalt  }
0x42: {  	_ =	shalt  }
0x43: {  	_ =	shalt  }
0x44: {  	_ =	shalt  }
0x45: {  	_ =	shalt  }
0x46: {  	_ =	shalt  }
0x47: {  	_ =	shalt  }
0x48: {  	_ =	shalt  }
0x49: {  	_ =	shalt  }
0x4a: {  	_ =	shalt  }
0x4b: {  	_ =	shalt  }
0x4c: {  	_ =	shalt  }
0x4d: {  	_ =	shalt  }
0x4e: {  	_ =	shalt  }
0x4f: {  	_ =	shalt  }
0x50: {  	_ =	shalt  }
0x51: {  	_ =	shalt  }
0x52: {  	_ =	shalt  }
0x53: {  	_ =	shalt  }
0x54: {  	_ =	shalt  }
0x55: {  	_ =	shalt  }
0x56: {  	_ =	shalt  }
0x57: {  	_ =	shalt  }
0x58: {  	_ =	shalt  }
0x59: {  	_ =	shalt  }
0x5a: {  	_ =	shalt  }
0x5b: {  	_ =	shalt  }
0x5c: {  	_ =	shalt  }
0x5d: {  	_ =	shalt  }
0x5e: {  	_ =	shalt  }
0x5f: {  	_ =	shalt  }
0x60: {  	_ =	shalt  }
0x61: {  	_ =	shalt  }
0x62: {  	_ =	shalt  }
0x63: {  	_ =	shalt  }
0x64: {  	_ =	shalt  }
0x65: {  	_ =	shalt  }
0x66: {  	_ =	shalt  }
0x67: {  	_ =	shalt  }
0x68: {  	_ =	shalt  }
0x69: {  	_ =	shalt  }
0x6a: {  	_ =	shalt  }
0x6b: {  	_ =	shalt  }
0x6c: {  	_ =	shalt  }
0x6d: {  	_ =	shalt  }
0x6e: {  	_ =	shalt  }
0x6f: {  	_ =	shalt  }
0x70: {  	_ =	shalt  }
0x71: {  	_ =	shalt  }
0x72: {  	_ =	shalt  }
0x73: {  	_ =	shalt  }
0x74: {  	_ =	shalt  }
0x75: {  	_ =	shalt  }
0x76: {  	_ =	shalt  }
0x77: {  	_ =	shalt  }
0x78: {  	_ =	shalt  }
0x79: {  	_ =	shalt  }
0x7a: {  	_ =	shalt  }
0x7b: {  	_ =	shalt  }
0x7c: {  	_ =	shalt  }
0x7d: {  	_ =	shalt  }
0x7e: {  	_ =	shalt  }
0x7f: {  	_ =	shalt  }
0x80: {  	_ =	shalt  }
0x81: {  	_ =	shalt  }
0x82: {  	_ =	shalt  }
0x83: {  	_ =	shalt  }
0x84: {  	_ =	shalt  }
0x85: {  	_ =	shalt  }
0x86: {  	_ =	shalt  }
0x87: {  	_ =	shalt  }
.Lfunc_end0:
.L_simem_size_0:
called_computation_lowered:
.L_overlay_start_0:
0x88: {  	s2 =	sld [smem:$0x3FD9]  }
0x89: {  	s3 =	sld [smem:$0x3FFE];
	_ =	sdelay $0x1  }
0x8a: {  	s1 =	srdreg.scid  }
0x8b: {  	s0 =	sand.u32 $0x1, s1  }
0x8c: {  	s16 =	sshll.u32 s0, $0xA;
	s2 =	sadd.s32 s3, s2  }
0x8d: {  	s2 =	sadd.s32 s2, s16  }
0x8e: {  	[smem:$0x3FC4] =	sst s2  }
0x8f: {  	_ = 	snop  }
0x90: {  	(tm) =	ssettm $0x1  }
0x91: {  	s17 =	sld [smem:$0x3FFB];
	_ =	sdelay $0x3  }
0x92: {  	_ =	strace s17  }
0x93: {  	s2 =	sld [smem:$0x3FFC];
	_ =	sdelay $0x3  }
0x94: {  	_ =	strace s2  }
0x95: {  	s2 =	sld [smem:$0x3FFD];
	_ =	sdelay $0x3  }
0x96: {  	_ =	strace s2  }
0x97: {  	_ =	strace $0x8FFFFFFF  }
0x98: {  	s18 =	sld [smem:$0x3FDB];
	_ =	sdelay $0x1  }
0x99: {  	s19 =	simm.s32 $_scs_section_size  }
0x9a: {  	s4 =	simm.s32 $_size__tile_overlayer_lowered;
	s5 =	simm.s32 $_tile_overlayer_lowered  }
0x9b: {  	s22 =	simm.s32 $0x1BFF;
	s21 =	sshll.u32 s5, $0x1;
	s2 =	sadd.s32 s19, s18  }
0x9c: {  	s6 =	simm.s32 $0x0;
	s20 =	sshll.u32 s4, $0x1;
	s4 =	sadd.s32 s21, s2  }
0x9d: {  	[timem:s6], [sflag:s22] =	dma.local [hbm:s4], s20  }
0x9e: {  	_ =	swait.ge [sflag:s22], s20  }
0x9f: {  	s3 =	ssub.s32 $0x0, s20;
	[sflag:s22] =	ssyncset.done $0x0  }
0xa0: {  	[sflag:s22] =	ssyncadd.s32 s3;
	_ =	sdelay $0x1  }
0xa1: {  	s23 =	simm.s32 $0x1B8B  }
0xa2: {  	_ =	swait.ge [sflag:s23], $0x1  }
0xa3: {  	[sflag:s23] =	ssyncset.done $0x0  }
0xa4: {  	s25 =	simm.s32 $0x1B8E;
	s24 =	sld [smem:$0x3FFE];
	[sflag:s23] =	ssyncadd.s32 $0xFFFFFFFF  }
0xa5: {  	s26 =	simm.s32 $execute0_lowered;
	[smem:$0x3FD2] =	sst s25  }
0xa6: {  	s4 =	sshll.u32 s26, $0x1;
	_ =	strace $0x80000046;
	[dreg:$0x1] =	wrdreg $0xFFFFFFFF  }
0xa7: {  	s28 =	simm.s32 $_size_execute0_lowered;
	s2 =	sadd.s32 s2, s4;
	[dreg:$0x0] =	wrdreg $0x0  }
0xa8: {  	s4 =	sshll.u32 s28, $0x1;
	[dreg:$0x2] =	wrdreg s2  }
0xa9: {  	[dreg:$0x3] =	wrdreg s4  }
0xaa: {  	[dreg:$0x4] =	wrdreg $0xC0  }
0xab: {  	_ =	task [dreg:s6], $0x5FFFF  }
0xac: {  	[dreg:$0x1] =	wrdreg $0xFFFFFFFF  }
0xad: {  	[dreg:$0x0] =	wrdreg $0x60  }
0xae: {  	[dreg:$0x2] =	wrdreg s24  }
0xaf: {  	[dreg:$0x3] =	wrdreg $0x9  }
0xb0: {  	_ =	task.clear_ibuf [dreg:s6], $0x4FFFF;
	_ =	strace $0x90000046  }
0xb1: {  	s29 =	simm.s32 $0x9;
	_ =	strace $0x80000048  }
0xb2: {  	_ =	swait.ge [sflag:s29], $0x1  }
0xb3: {  	[sflag:s29] =	ssyncadd.s32 $0xFFFFFFFF  }
0xb4: {  	_ =	strace $0x90000048  }
0xb5: {  	_ =	sfence  }
0xb6: {  	s30 =	sld [smem:$0x0];
	_ =	sdelay $0x2  }
0xb7: {  	s31 =	sshll.u32 s1, $0xD;
	s1 =	sshrl.u32 s1, $0x2  }
0xb8: {  	s3 =	sand.u32 $0x4000, s31;
	s1 =	sadd.s32 s1, s30  }
0xb9: {  	s0 =	sor.u32 s3, s0;
	s1 =	sshll.u32 s1, $0x11  }
0xba: {  	s0 =	sor.u32 s1, s0  }
0xbb: {  	s0 =	sadd.s32 $0x8F2B, s0  }
0xbc: {  	[sflag:s0] =	ssyncadd.remote.s32 $0x1  }
0xbd: {  	_ =	sfence.sel $0xFFFF  }
0xbe: {  	[dreg:$0x0] =	wrdreg $0xFFFFFFFF;
	(pc) =	sbr.abs _section_cstart, $3  }
0xbf: {  	[dreg:$0x1] =	wrdreg $0xFFFFFFFF  }
0xc0: {  	_ =	task.clear_ibuf [dreg:s6], $0x2FFFF;
	_ =	strace $0x9FFFFFFF  }
0xc1: {  	(tm) =	ssettm $0x7FFFFFFF  }
tec
execute0_lowered:
.L_overlay_start_1:
0x0: {  	(tag) =	ssettag $0x1  }
0x1: {  	s1 =	srdreg.scid;
	s0 =	stileid.u32  }
0x2: {  	s5 =	sand.u32 $0x1, s1;
	s30 =	sshll.u32 s0, $0x1  }
0x3: {  	s7 =	rddreg [dreg:$0x0];
	s2 =	simm.s32 $0x0;
	s3 =	sor.u32 s5, s30  }
0x4: {  	[smem:$0x7FF] =	sst s2;
	s4 =	smul.u32 $0x24, s3  }
0x5: {  	s1 =	rddreg [dreg:$0x1];
	_ =	strace $0x80000047  }
0x6: {  	s8 =	ssub.s32 $0x2, s5;
	s6 =	smul.u32 $0x1200, s3;
	s4 =	sadd.s32 s4, s7  }
0x7: {  	s9 =	sshrl.u32 s8, $0x1;
	s3 =	sadd.s32 $0x24A00, s4;
	s4 =	simm.s32 $0x2  }
0x8: {  	[tilespmem:s2], [sflag:$0x2] =	stream.linear.gather [hbm4b:s3+s2], $0x120, $0x38;
	[tilespmem:$0x9180] =	vst v63  }
0x9: {  	s8 =	ssub.s32 s8, s9;
	_ =	swait.ge [sflag:s4], $0x120  }
0xa: {  	s31 =	sadd.s32 s6, s7;
	s6 =	simm.s32 $0x180;
	[sflag:s4] =	ssyncset.done $0x0  }
0xb: {  	s10 =	smax.u32 s8, $0x1;
	s5 =	sadd.s32 $0x800, s31;
	[sflag:s4] =	ssyncadd.s32 $0xFFFFFEE0  }
0xc: {  	[tilespmem:s6], [sflag:$0x2] =	stream.linear.gather [hbm4b:s5+s2], $0x9000, $0x38;
	[tilespmem:$0x9180] =	vst v63  }
0xd: {  	p0 =	sne.s32 s10, $0x1;
	_ =	swait.ge [sflag:s4], $0x9000  }
.Ltmp0:
0xe: {  	s9 =	simm.s32 $0x120;
	[sflag:s4] =	ssyncset.done $0x0;
	(pc) =	sbr.rel @!p0 .LBB2_2-.Ltmp0, $4  }
0xf: {  	s7 =	sadd.s32 $0x25000, s7;
	s8 =	simm.s32 $0x1;
	[sflag:s4] =	ssyncadd.s32 $0xFFFF7000  }
0x10: {  	[hbm4b:s7+s9] =	stream.indirect.scatter [tilespmem:s6], [sflag:$0x1], $0x80, s2, s9, $0xb8;
	[tilespmem:$0x9180] =	vst v63  }
0x11: {  	_ =	swait.ge [sflag:s8], $0x9000  }
0x12: {  	s10 =	sadd.s32 $0xFFFFFFFF, s10;
	[sflag:s8] =	ssyncset.done $0x0  }
.LBB2_1:
0x13: {  	p0 =	sne.s32 s10, $0x1;
	s10 =	sadd.s32 $0xFFFFFFFF, s10;
	[sflag:s8] =	ssyncadd.s32 $0xFFFF7000  }
0x14: {  	[tilespmem:s2], [sflag:$0x2] =	stream.linear.gather [hbm4b:s3+s2], $0x120, $0x38;
	[tilespmem:$0x9180] =	vst v63  }
0x15: {  	_ =	swait.ge [sflag:s4], $0x120  }
0x16: {  	[sflag:s4] =	ssyncset.done $0x0  }
0x17: {  	[sflag:s4] =	ssyncadd.s32 $0xFFFFFEE0  }
0x18: {  	[tilespmem:s6], [sflag:$0x2] =	stream.linear.gather [hbm4b:s5+s2], $0x9000, $0x38;
	[tilespmem:$0x9180] =	vst v63  }
0x19: {  	_ =	swait.ge [sflag:s4], $0x9000  }
.Ltmp1:
0x1a: {  	[sflag:s4] =	ssyncset.done $0x0;
	(pc) =	sbr.rel @p0 .LBB2_1-.Ltmp1, $4  }
0x1b: {  	[sflag:s4] =	ssyncadd.s32 $0xFFFF7000  }
0x1c: {  	[hbm4b:s7+s9] =	stream.indirect.scatter [tilespmem:s6], [sflag:$0x1], $0x80, s2, s9, $0xb8;
	[tilespmem:$0x9180] =	vst v63  }
0x1d: {  	_ =	swait.ge [sflag:s8], $0x9000  }
0x1e: {  	[sflag:s8] =	ssyncset.done $0x0  }
.LBB2_2:
0x1f: {  	[sflag:s8] =	ssyncadd.s32 $0xFFFF7000  }
0x20: {  	_ =	sfence.sel $0x180000  }
0x21: {  	[bflag:$0x0] =	sbarrier.arrive $0xFFFF  }
0x22: {  	p0 =	sne.s32 s0, $0x0;
	_ =	strace $0x90000047  }
0x23: {  	s0 =	sadd.s32 @!p0 $0x100000, s1;
	[bflag:$0x2] =	sbarrier.arrive $0xFFFF  }
0x24: {  	[sflag:s0] =	ssyncadd.tile.s32 @!p0 $0x1;
	_ =	shalt  }
.Lfunc_end2:
_tile_overlayer_lowered:
.L_overlay_start_2:
0x25: {  	(tag) =	ssettag $0x2  }
0x26: {  	s0 =	rddreg [dreg:$0x0];
	s2 =	stileid.u32  }
0x27: {  	s1 =	rddreg [dreg:$0x1];
	p0 =	sne.s32 s2, $0x0  }
0x28: {  	s3 =	rddreg [dreg:$0x2];
	[bflag:$0x3] =	sbarrier.arrive $0xFFFF;
	s2 =	simm.s32 @!p0 $0x1C02  }
0x29: {  	[timem:s3], [sflag:s2] =	dma.local @!p0 [hbm:s0], s1  }
0x2a: {  	s0 =	simm.s32 @!p0 $0x2  }
0x2b: {  	_ =	swait.ge @!p0 [sflag:s0], s1  }
0x2c: {  	s1 =	ssub.s32 @!p0 $0x0, s1;
	[sflag:s0] =	ssyncset.done @!p0 $0x0  }
0x2d: {  	[sflag:s0] =	ssyncadd.s32 @!p0 s1  }
0x2e: {  	[bflag:$0x3] =	sbarrier.arrive $0xFFFF  }
0x2f: {  	_ =	shalt  }

</sc_bundles>
